<compile_context>
chip_gen: v7x
topology: tpu7x:2x2x1
jax: 0.10.2.dev20260603
libtpu: 0.0.44.dev20260713+nightly
codegen_flags: <defaults>
</compile_context>

<pallas_src>
import functools

import jax
import jax.numpy as jnp
from jax import lax
from jax.experimental import pallas as pl
from jax.experimental.pallas import tpu as pltpu
from jax.experimental.pallas import tpu_sc as plsc

B, L, N = 1024, 20, 50
D = 64

_info = plsc.get_sparse_core_info()
NC, NS = _info.num_cores, _info.num_subcores
NW = NC * NS

PAIRS = B * L
PAIRS_PER_TILE = PAIRS // NW
CHUNK_PAIRS = 16
CHUNK_ITEMS = CHUNK_PAIRS * N
NCHUNKS = PAIRS_PER_TILE // CHUNK_PAIRS
IDX_ROW = 100
IDX_ROWS_PER_CHUNK = CHUNK_ITEMS // IDX_ROW
NGROUPS = 4


def _vperm(x, idx):
    return lax.gather(
        x, idx.reshape(16, 1),
        lax.GatherDimensionNumbers(offset_dims=(), collapsed_slice_dims=(0,),
                                   start_index_map=(0,)),
        slice_sizes=(1,),
        mode=lax.GatherScatterMode.PROMISE_IN_BOUNDS)


BITREV4 = [0, 8, 4, 12, 2, 10, 6, 14, 1, 9, 5, 13, 3, 11, 7, 15]


def _body(uid_hbm, iid_hbm, user_table, item_table, out_hbm,
          uidx_v, iidx_v, urows_v, irows_v, out_v, sem):
    wid = lax.axis_index("c") * NS + lax.axis_index("s")
    lane = lax.iota(jnp.int32, 16)
    perm_idx = {s: lane ^ s for s in (8, 4, 2, 1)}
    sel_mask = {s: (lane & s) == 0 for s in (8, 4, 2, 1)}

    def chunk_body(c, _):
        pair_base = pl.multiple_of(wid * PAIRS_PER_TILE + c * CHUNK_PAIRS,
                                   CHUNK_PAIRS)
        item_base = pl.multiple_of(pair_base * N, CHUNK_ITEMS)
        idx_row_base = pl.multiple_of(item_base // IDX_ROW,
                                      IDX_ROWS_PER_CHUNK)

        pltpu.sync_copy(uid_hbm.at[pl.ds(pair_base, CHUNK_PAIRS)], uidx_v)
        pltpu.sync_copy(iid_hbm.at[pl.ds(idx_row_base, IDX_ROWS_PER_CHUNK)],
                        iidx_v)

        copies = [pltpu.async_copy(user_table.at[uidx_v], urows_v, sem)]
        for j in range(IDX_ROWS_PER_CHUNK):
            copies.append(pltpu.async_copy(
                item_table.at[iidx_v.at[j]],
                irows_v.at[pl.ds(j * IDX_ROW, IDX_ROW)], sem))
        for cp in copies:
            cp.wait()

        def group_body(t, _):
            p = t // NGROUPS
            g = t % NGROUPS
            goff = jnp.minimum(g * 16, N - 16)
            u0 = urows_v[p, pl.ds(0, 16)]
            u1 = urows_v[p, pl.ds(16, 16)]
            u2 = urows_v[p, pl.ds(32, 16)]
            u3 = urows_v[p, pl.ds(48, 16)]
            srow = p * N + goff
            vs = []
            for j in range(16):
                r = srow + BITREV4[j]
                vs.append((irows_v[r, pl.ds(0, 16)] * u0
                           + irows_v[r, pl.ds(16, 16)] * u1)
                          + (irows_v[r, pl.ds(32, 16)] * u2
                             + irows_v[r, pl.ds(48, 16)] * u3))
            for s in (8, 4, 2, 1):
                nxt = []
                for i in range(0, len(vs), 2):
                    a, b = vs[i], vs[i + 1]
                    pa = a + _vperm(a, perm_idx[s])
                    pb = b + _vperm(b, perm_idx[s])
                    nxt.append(jnp.where(sel_mask[s], pa, pb))
                vs = nxt
            out_v[pl.ds(srow, 16)] = vs[0]
            return _

        lax.fori_loop(0, CHUNK_PAIRS * NGROUPS, group_body, None)

        pltpu.sync_copy(out_v, out_hbm.at[pl.ds(item_base, CHUNK_ITEMS)])
        return _

    lax.fori_loop(0, NCHUNKS, chunk_body, None)


@functools.partial(jax.jit, static_argnums=())
def kernel(batch, user_table, item_table):
    user_ids = batch[:, :, 0].reshape(PAIRS).astype(jnp.int32)
    item_ids = batch[:, :, 1:].reshape(PAIRS * N // IDX_ROW,
                                       IDX_ROW).astype(jnp.int32)

    run = pl.kernel(
        _body,
        out_type=jax.ShapeDtypeStruct((PAIRS * N,), jnp.float32),
        mesh=plsc.VectorSubcoreMesh(core_axis_name="c", subcore_axis_name="s"),
        compiler_params=pltpu.CompilerParams(use_tc_tiling_on_sc=False),
        scratch_types=[
            pltpu.VMEM((CHUNK_PAIRS,), jnp.int32),
            pltpu.VMEM((IDX_ROWS_PER_CHUNK, IDX_ROW), jnp.int32),
            pltpu.VMEM((CHUNK_PAIRS, D), jnp.float32),
            pltpu.VMEM((CHUNK_ITEMS, D), jnp.float32),
            pltpu.VMEM((CHUNK_ITEMS,), jnp.float32),
            pltpu.SemaphoreType.DMA,
        ],
    )
    scores = run(user_ids, item_ids, user_table, item_table)
    return scores.reshape(B, L, N)

# --- scband reference (transcript-rebuilt; emitter-appended) ---
"""Pipeline reference for scband-mf-16673063043317 (READ-ONLY COPY).

The authoritative reference and input builder live on the scoring server;
editing this copy changes nothing except your own understanding.
"""

import jax, jax.numpy as jnp
import numpy as np

B, L, N = 1024, 20, 50
NUM_USERS = 100000
NUM_ITEMS = 100000
D = 64


def setup_inputs(seed: int = 0) -> dict:
    key = jax.random.key(seed)
    k1, k2, k3 = jax.random.split(key, 3)
    # batch layout: [:, :, 0] = user id, [:, :, 1:] = N candidate item ids
    batch = jax.random.randint(k1, (B, L, N + 1), 0, NUM_USERS)
    user_table = jax.random.normal(k2, (NUM_USERS, D), dtype=jnp.float32) * 0.02
    item_table = jax.random.normal(k3, (NUM_ITEMS, D), dtype=jnp.float32) * 0.02
    return {"batch": batch, "user_table": user_table, "item_table": item_table}


def reference(batch, user_table, item_table):
    # self.embedding(batch) -> (item_embs, user_embs)
    user_ids = batch[:, :, 0]            # [B, L]
    item_ids = batch[:, :, 1:]           # [B, L, N]
    user_embs = jnp.take(user_table, user_ids, axis=0)   # [B, L, D]
    item_embs = jnp.take(item_table, item_ids, axis=0)   # [B, L, N, D]
    # scores = item_embs * user_embs[:, :, None, :].repeat(1, 1, N, 1); sum(-1)
    scores = (item_embs * user_embs[:, :, None, :]).sum(-1)  # [B, L, N]
    return scores

if __name__ == "__main__":
    import jax
    _d = setup_inputs()
    print(jax.jit(kernel)(*tuple(_d.values())))

</pallas_src>

<mosaic_0001>
#map = affine_map<(d0, d1) -> (0)>
#map1 = affine_map<(d0, d1) -> (0, 0)>
module attributes {stable_mosaic.version = 14 : i64} {
  func.func @_body(%arg0: i32, %arg1: i32, %arg2: memref<20480xi32, #tpu.memory_space<hbm>>, %arg3: memref<10240x100xi32, #tpu.memory_space<hbm>>, %arg4: memref<100000x64xf32, #tpu.memory_space<hbm>>, %arg5: memref<100000x64xf32, #tpu.memory_space<hbm>>, %arg6: memref<1024000xf32, #tpu.memory_space<hbm>>, %arg7: memref<16xi32, #tpu.memory_space<vmem>>, %arg8: memref<8x100xi32, #tpu.memory_space<vmem>>, %arg9: memref<16x64xf32, #tpu.memory_space<vmem>>, %arg10: memref<800x64xf32, #tpu.memory_space<vmem>>, %arg11: memref<800xf32, #tpu.memory_space<vmem>>, %arg12: memref<!tpu.dma_semaphore, #tpu.memory_space<semaphore_mem>>) attributes {dimension_semantics = [#tpu.dimension_semantics<core_parallel>, #tpu.dimension_semantics<subcore_parallel>], iteration_bounds = array<i64: 2, 16>, scalar_prefetch = 0 : i64, scratch_operands = 6 : i64, tpu.core_type = #tpu.core_type<sc_vector_subcore>, window_params = [{transform_indices = #map}, {transform_indices = #map1}, {transform_indices = #map1}, {transform_indices = #map1}, {transform_indices = #map}]} {
    %mul3A = arith.constant 16 : i32
    %mul3A_0 = arith.muli %arg0, %mul3A : i32
    %add3A = arith.addi %mul3A_0, %arg1 : i32
    %iota3A = tpu.iota {dimensions = array<i32: 0>} : vector<16xi32>
    %xor3A = arith.constant 8 : i32
    %xor3A_1 = vector.broadcast %xor3A : i32 to vector<16xi32>
    %xor3A_2 = arith.xori %iota3A, %xor3A_1 : vector<16xi32>
    %xor3A_3 = arith.constant 4 : i32
    %xor3A_4 = vector.broadcast %xor3A_3 : i32 to vector<16xi32>
    %xor3A_5 = arith.xori %iota3A, %xor3A_4 : vector<16xi32>
    %xor3A_6 = arith.constant 2 : i32
    %xor3A_7 = vector.broadcast %xor3A_6 : i32 to vector<16xi32>
    %xor3A_8 = arith.xori %iota3A, %xor3A_7 : vector<16xi32>
    %xor3A_9 = arith.constant 1 : i32
    %xor3A_10 = vector.broadcast %xor3A_9 : i32 to vector<16xi32>
    %xor3A_11 = arith.xori %iota3A, %xor3A_10 : vector<16xi32>
    %and3A = arith.constant 8 : i32
    %and3A_12 = vector.broadcast %and3A : i32 to vector<16xi32>
    %and3A_13 = arith.andi %iota3A, %and3A_12 : vector<16xi32>
    %eq3A = arith.constant 0 : i32
    %eq3A_14 = vector.broadcast %eq3A : i32 to vector<16xi32>
    %eq3A_15 = arith.cmpi eq, %and3A_13, %eq3A_14 : vector<16xi32>
    %and3A_16 = arith.constant 4 : i32
    %and3A_17 = vector.broadcast %and3A_16 : i32 to vector<16xi32>
    %and3A_18 = arith.andi %iota3A, %and3A_17 : vector<16xi32>
    %eq3A_19 = arith.constant 0 : i32
    %eq3A_20 = vector.broadcast %eq3A_19 : i32 to vector<16xi32>
    %eq3A_21 = arith.cmpi eq, %and3A_18, %eq3A_20 : vector<16xi32>
    %and3A_22 = arith.constant 2 : i32
    %and3A_23 = vector.broadcast %and3A_22 : i32 to vector<16xi32>
    %and3A_24 = arith.andi %iota3A, %and3A_23 : vector<16xi32>
    %eq3A_25 = arith.constant 0 : i32
    %eq3A_26 = vector.broadcast %eq3A_25 : i32 to vector<16xi32>
    %eq3A_27 = arith.cmpi eq, %and3A_24, %eq3A_26 : vector<16xi32>
    %and3A_28 = arith.constant 1 : i32
    %and3A_29 = vector.broadcast %and3A_28 : i32 to vector<16xi32>
    %and3A_30 = arith.andi %iota3A, %and3A_29 : vector<16xi32>
    %eq3A_31 = arith.constant 0 : i32
    %eq3A_32 = vector.broadcast %eq3A_31 : i32 to vector<16xi32>
    %eq3A_33 = arith.cmpi eq, %and3A_30, %eq3A_32 : vector<16xi32>
    %scan3A = arith.constant 0 : i32
    %scan3A_34 = arith.constant 40 : i32
    %scan3A_35 = arith.addi %scan3A, %scan3A_34 : i32
    %scan3A_36 = arith.constant 1 : i32
    scf.for %scan3A_38 = %scan3A to %scan3A_35 step %scan3A_36  : i32 {
      %mul3A_39 = arith.constant 640 : i32
      %mul3A_40 = arith.muli %add3A, %mul3A_39 : i32
      %mul3A_41 = arith.constant 16 : i32
      %mul3A_42 = arith.muli %scan3A_38, %mul3A_41 : i32
      %add3A_43 = arith.addi %mul3A_40, %mul3A_42 : i32
      %multiple_of3A = tpu.assume_multiple %add3A_43, 16 : i32
      %mul3A_44 = arith.constant 50 : i32
      %mul3A_45 = arith.muli %multiple_of3A, %mul3A_44 : i32
      %multiple_of3A_46 = tpu.assume_multiple %mul3A_45, 800 : i32
      %jit3A = arith.constant 100 : i32
      %div3A = arith.divsi %multiple_of3A_46, %jit3A : i32
      %sign3A = arith.constant 0 : i32
      %sign3A_47 = arith.cmpi sgt, %multiple_of3A_46, %sign3A : i32
      %sign3A_48 = arith.extui %sign3A_47 : i1 to i32
      %sign3A_49 = arith.constant 0 : i32
      %sign3A_50 = arith.cmpi slt, %multiple_of3A_46, %sign3A_49 : i32
      %sign3A_51 = arith.extui %sign3A_50 : i1 to i32
      %sign3A_52 = arith.subi %sign3A_48, %sign3A_51 : i32
      %sign3A_53 = arith.constant 0 : i32
      %sign3A_54 = arith.cmpi sgt, %jit3A, %sign3A_53 : i32
      %sign3A_55 = arith.extui %sign3A_54 : i1 to i32
      %sign3A_56 = arith.constant 0 : i32
      %sign3A_57 = arith.cmpi slt, %jit3A, %sign3A_56 : i32
      %sign3A_58 = arith.extui %sign3A_57 : i1 to i32
      %sign3A_59 = arith.subi %sign3A_55, %sign3A_58 : i32
      %ne3A = arith.cmpi ne, %sign3A_52, %sign3A_59 : i32
      %rem3A = arith.remsi %multiple_of3A_46, %jit3A : i32
      %ne3A_60 = arith.constant 0 : i32
      %ne3A_61 = arith.cmpi ne, %rem3A, %ne3A_60 : i32
      %and3A_62 = arith.andi %ne3A, %ne3A_61 : i1
      %sub3A = arith.constant 1 : i32
      %sub3A_63 = arith.subi %div3A, %sub3A : i32
      %select_n3A = arith.select %and3A_62, %sub3A_63, %div3A : i32
      %multiple_of3A_64 = tpu.assume_multiple %select_n3A, 8 : i32
      "tpu.region"() ({
        %run_scoped3A = tpu.sem_alloc : memref<!tpu.dma_semaphore, #tpu.memory_space<semaphore_mem>>
        %dma_start3A_234 = tpu.memref_slice %arg2[%multiple_of3A] : memref<20480xi32, #tpu.memory_space<hbm>> -> memref<16xi32, #tpu.memory_space<hbm>>
        %dma_start3A_235 = tpu.memref_slice %arg2[%multiple_of3A] : memref<20480xi32, #tpu.memory_space<hbm>> -> memref<16xi32, #tpu.memory_space<hbm>>
        tpu.enqueue_dma source(%dma_start3A_235 : memref<16xi32, #tpu.memory_space<hbm>>) target(%arg7 : memref<16xi32, #tpu.memory_space<vmem>>) target_semaphore(%run_scoped3A : memref<!tpu.dma_semaphore, #tpu.memory_space<semaphore_mem>>)
        %dma_wait3A_236 = tpu.memref_slice %arg2[%multiple_of3A] : memref<20480xi32, #tpu.memory_space<hbm>> -> memref<16xi32, #tpu.memory_space<hbm>>
        %dma_wait3A_237 = tpu.memref_slice %arg2[%multiple_of3A] : memref<20480xi32, #tpu.memory_space<hbm>> -> memref<16xi32, #tpu.memory_space<hbm>>
        tpu.wait_dma2 semaphore(%run_scoped3A : memref<!tpu.dma_semaphore, #tpu.memory_space<semaphore_mem>>) src(%dma_wait3A_237 : memref<16xi32, #tpu.memory_space<hbm>>) dst(%arg7 : memref<16xi32, #tpu.memory_space<vmem>>)
        tpu.yield
      }) : () -> ()
      "tpu.region"() ({
        %run_scoped3A = tpu.sem_alloc : memref<!tpu.dma_semaphore, #tpu.memory_space<semaphore_mem>>
        %dma_start3A_234 = arith.constant 0 : i32
        %dma_start3A_235 = tpu.memref_slice %arg3[%multiple_of3A_64, %dma_start3A_234] : memref<10240x100xi32, #tpu.memory_space<hbm>> -> memref<8x100xi32, #tpu.memory_space<hbm>>
        %dma_start3A_236 = arith.constant 0 : i32
        %dma_start3A_237 = tpu.memref_slice %arg3[%multiple_of3A_64, %dma_start3A_236] : memref<10240x100xi32, #tpu.memory_space<hbm>> -> memref<8x100xi32, #tpu.memory_space<hbm>>
        tpu.enqueue_dma source(%dma_start3A_237 : memref<8x100xi32, #tpu.memory_space<hbm>>) target(%arg8 : memref<8x100xi32, #tpu.memory_space<vmem>>) target_semaphore(%run_scoped3A : memref<!tpu.dma_semaphore, #tpu.memory_space<semaphore_mem>>)
        %dma_wait3A_238 = arith.constant 0 : i32
        %dma_wait3A_239 = tpu.memref_slice %arg3[%multiple_of3A_64, %dma_wait3A_238] : memref<10240x100xi32, #tpu.memory_space<hbm>> -> memref<8x100xi32, #tpu.memory_space<hbm>>
        %dma_wait3A_240 = arith.constant 0 : i32
        %dma_wait3A_241 = tpu.memref_slice %arg3[%multiple_of3A_64, %dma_wait3A_240] : memref<10240x100xi32, #tpu.memory_space<hbm>> -> memref<8x100xi32, #tpu.memory_space<hbm>>
        tpu.wait_dma2 semaphore(%run_scoped3A : memref<!tpu.dma_semaphore, #tpu.memory_space<semaphore_mem>>) src(%dma_wait3A_241 : memref<8x100xi32, #tpu.memory_space<hbm>>) dst(%arg8 : memref<8x100xi32, #tpu.memory_space<vmem>>)
        tpu.yield
      }) : () -> ()
      %dma_start3A = arith.constant 0 : i32
      %dma_start3A_65 = arith.constant 0 : i32
      %dma_start3A_66 = tpu.memref_slice %arg4[%dma_start3A, %dma_start3A_65] : memref<100000x64xf32, #tpu.memory_space<hbm>> -> memref<100000x64xf32, #tpu.memory_space<hbm>>
      tpu.enqueue_indirect_dma source(%dma_start3A_66 : memref<100000x64xf32, #tpu.memory_space<hbm>>) target(%arg9 : memref<16x64xf32, #tpu.memory_space<vmem>>) offsets(%arg7 : memref<16xi32, #tpu.memory_space<vmem>>) semaphore(%arg12 : memref<!tpu.dma_semaphore, #tpu.memory_space<semaphore_mem>>)
      %dma_start3A_67 = arith.constant 0 : i32
      %dma_start3A_68 = arith.constant 0 : i32
      %dma_start3A_69 = arith.constant 0 : i32
      %dma_start3A_70 = tpu.memref_slice %arg10[%dma_start3A_68, %dma_start3A_69] : memref<800x64xf32, #tpu.memory_space<vmem>> -> memref<100x64xf32, #tpu.memory_space<vmem>>
      %dma_start3A_71 = arith.constant 0 : i32
      %dma_start3A_72 = tpu.memref_slice %arg8[%dma_start3A_67, %dma_start3A_71] : memref<8x100xi32, #tpu.memory_space<vmem>> -> memref<1x100xi32, #tpu.memory_space<vmem>>
      %dma_start3A_73 = tpu.memref_squeeze %dma_start3A_72 : memref<1x100xi32, #tpu.memory_space<vmem>> -> memref<100xi32, #tpu.memory_space<vmem>>
      %dma_start3A_74 = arith.constant 0 : i32
      %dma_start3A_75 = arith.constant 0 : i32
      %dma_start3A_76 = tpu.memref_slice %arg5[%dma_start3A_74, %dma_start3A_75] : memref<100000x64xf32, #tpu.memory_space<hbm>> -> memref<100000x64xf32, #tpu.memory_space<hbm>>
      tpu.enqueue_indirect_dma source(%dma_start3A_76 : memref<100000x64xf32, #tpu.memory_space<hbm>>) target(%dma_start3A_70 : memref<100x64xf32, #tpu.memory_space<vmem>>) offsets(%dma_start3A_73 : memref<100xi32, #tpu.memory_space<vmem>>) semaphore(%arg12 : memref<!tpu.dma_semaphore, #tpu.memory_space<semaphore_mem>>)
      %dma_start3A_77 = arith.constant 1 : i32
      %dma_start3A_78 = arith.constant 100 : i32
      %dma_start3A_79 = arith.constant 0 : i32
      %dma_start3A_80 = tpu.memref_slice %arg10[%dma_start3A_78, %dma_start3A_79] : memref<800x64xf32, #tpu.memory_space<vmem>> -> memref<100x64xf32, #tpu.memory_space<vmem>>
      %dma_start3A_81 = arith.constant 0 : i32
      %dma_start3A_82 = tpu.memref_slice %arg8[%dma_start3A_77, %dma_start3A_81] : memref<8x100xi32, #tpu.memory_space<vmem>> -> memref<1x100xi32, #tpu.memory_space<vmem>>
      %dma_start3A_83 = tpu.memref_squeeze %dma_start3A_82 : memref<1x100xi32, #tpu.memory_space<vmem>> -> memref<100xi32, #tpu.memory_space<vmem>>
      %dma_start3A_84 = arith.constant 0 : i32
      %dma_start3A_85 = arith.constant 0 : i32
      %dma_start3A_86 = tpu.memref_slice %arg5[%dma_start3A_84, %dma_start3A_85] : memref<100000x64xf32, #tpu.memory_space<hbm>> -> memref<100000x64xf32, #tpu.memory_space<hbm>>
      tpu.enqueue_indirect_dma source(%dma_start3A_86 : memref<100000x64xf32, #tpu.memory_space<hbm>>) target(%dma_start3A_80 : memref<100x64xf32, #tpu.memory_space<vmem>>) offsets(%dma_start3A_83 : memref<100xi32, #tpu.memory_space<vmem>>) semaphore(%arg12 : memref<!tpu.dma_semaphore, #tpu.memory_space<semaphore_mem>>)
      %dma_start3A_87 = arith.constant 2 : i32
      %dma_start3A_88 = arith.constant 200 : i32
      %dma_start3A_89 = arith.constant 0 : i32
      %dma_start3A_90 = tpu.memref_slice %arg10[%dma_start3A_88, %dma_start3A_89] : memref<800x64xf32, #tpu.memory_space<vmem>> -> memref<100x64xf32, #tpu.memory_space<vmem>>
      %dma_start3A_91 = arith.constant 0 : i32
      %dma_start3A_92 = tpu.memref_slice %arg8[%dma_start3A_87, %dma_start3A_91] : memref<8x100xi32, #tpu.memory_space<vmem>> -> memref<1x100xi32, #tpu.memory_space<vmem>>
      %dma_start3A_93 = tpu.memref_squeeze %dma_start3A_92 : memref<1x100xi32, #tpu.memory_space<vmem>> -> memref<100xi32, #tpu.memory_space<vmem>>
      %dma_start3A_94 = arith.constant 0 : i32
      %dma_start3A_95 = arith.constant 0 : i32
      %dma_start3A_96 = tpu.memref_slice %arg5[%dma_start3A_94, %dma_start3A_95] : memref<100000x64xf32, #tpu.memory_space<hbm>> -> memref<100000x64xf32, #tpu.memory_space<hbm>>
      tpu.enqueue_indirect_dma source(%dma_start3A_96 : memref<100000x64xf32, #tpu.memory_space<hbm>>) target(%dma_start3A_90 : memref<100x64xf32, #tpu.memory_space<vmem>>) offsets(%dma_start3A_93 : memref<100xi32, #tpu.memory_space<vmem>>) semaphore(%arg12 : memref<!tpu.dma_semaphore, #tpu.memory_space<semaphore_mem>>)
      %dma_start3A_97 = arith.constant 3 : i32
      %dma_start3A_98 = arith.constant 300 : i32
      %dma_start3A_99 = arith.constant 0 : i32
      %dma_start3A_100 = tpu.memref_slice %arg10[%dma_start3A_98, %dma_start3A_99] : memref<800x64xf32, #tpu.memory_space<vmem>> -> memref<100x64xf32, #tpu.memory_space<vmem>>
      %dma_start3A_101 = arith.constant 0 : i32
      %dma_start3A_102 = tpu.memref_slice %arg8[%dma_start3A_97, %dma_start3A_101] : memref<8x100xi32, #tpu.memory_space<vmem>> -> memref<1x100xi32, #tpu.memory_space<vmem>>
      %dma_start3A_103 = tpu.memref_squeeze %dma_start3A_102 : memref<1x100xi32, #tpu.memory_space<vmem>> -> memref<100xi32, #tpu.memory_space<vmem>>
      %dma_start3A_104 = arith.constant 0 : i32
      %dma_start3A_105 = arith.constant 0 : i32
      %dma_start3A_106 = tpu.memref_slice %arg5[%dma_start3A_104, %dma_start3A_105] : memref<100000x64xf32, #tpu.memory_space<hbm>> -> memref<100000x64xf32, #tpu.memory_space<hbm>>
      tpu.enqueue_indirect_dma source(%dma_start3A_106 : memref<100000x64xf32, #tpu.memory_space<hbm>>) target(%dma_start3A_100 : memref<100x64xf32, #tpu.memory_space<vmem>>) offsets(%dma_start3A_103 : memref<100xi32, #tpu.memory_space<vmem>>) semaphore(%arg12 : memref<!tpu.dma_semaphore, #tpu.memory_space<semaphore_mem>>)
      %dma_start3A_107 = arith.constant 4 : i32
      %dma_start3A_108 = arith.constant 400 : i32
      %dma_start3A_109 = arith.constant 0 : i32
      %dma_start3A_110 = tpu.memref_slice %arg10[%dma_start3A_108, %dma_start3A_109] : memref<800x64xf32, #tpu.memory_space<vmem>> -> memref<100x64xf32, #tpu.memory_space<vmem>>
      %dma_start3A_111 = arith.constant 0 : i32
      %dma_start3A_112 = tpu.memref_slice %arg8[%dma_start3A_107, %dma_start3A_111] : memref<8x100xi32, #tpu.memory_space<vmem>> -> memref<1x100xi32, #tpu.memory_space<vmem>>
      %dma_start3A_113 = tpu.memref_squeeze %dma_start3A_112 : memref<1x100xi32, #tpu.memory_space<vmem>> -> memref<100xi32, #tpu.memory_space<vmem>>
      %dma_start3A_114 = arith.constant 0 : i32
      %dma_start3A_115 = arith.constant 0 : i32
      %dma_start3A_116 = tpu.memref_slice %arg5[%dma_start3A_114, %dma_start3A_115] : memref<100000x64xf32, #tpu.memory_space<hbm>> -> memref<100000x64xf32, #tpu.memory_space<hbm>>
      tpu.enqueue_indirect_dma source(%dma_start3A_116 : memref<100000x64xf32, #tpu.memory_space<hbm>>) target(%dma_start3A_110 : memref<100x64xf32, #tpu.memory_space<vmem>>) offsets(%dma_start3A_113 : memref<100xi32, #tpu.memory_space<vmem>>) semaphore(%arg12 : memref<!tpu.dma_semaphore, #tpu.memory_space<semaphore_mem>>)
      %dma_start3A_117 = arith.constant 5 : i32
      %dma_start3A_118 = arith.constant 500 : i32
      %dma_start3A_119 = arith.constant 0 : i32
      %dma_start3A_120 = tpu.memref_slice %arg10[%dma_start3A_118, %dma_start3A_119] : memref<800x64xf32, #tpu.memory_space<vmem>> -> memref<100x64xf32, #tpu.memory_space<vmem>>
      %dma_start3A_121 = arith.constant 0 : i32
      %dma_start3A_122 = tpu.memref_slice %arg8[%dma_start3A_117, %dma_start3A_121] : memref<8x100xi32, #tpu.memory_space<vmem>> -> memref<1x100xi32, #tpu.memory_space<vmem>>
      %dma_start3A_123 = tpu.memref_squeeze %dma_start3A_122 : memref<1x100xi32, #tpu.memory_space<vmem>> -> memref<100xi32, #tpu.memory_space<vmem>>
      %dma_start3A_124 = arith.constant 0 : i32
      %dma_start3A_125 = arith.constant 0 : i32
      %dma_start3A_126 = tpu.memref_slice %arg5[%dma_start3A_124, %dma_start3A_125] : memref<100000x64xf32, #tpu.memory_space<hbm>> -> memref<100000x64xf32, #tpu.memory_space<hbm>>
      tpu.enqueue_indirect_dma source(%dma_start3A_126 : memref<100000x64xf32, #tpu.memory_space<hbm>>) target(%dma_start3A_120 : memref<100x64xf32, #tpu.memory_space<vmem>>) offsets(%dma_start3A_123 : memref<100xi32, #tpu.memory_space<vmem>>) semaphore(%arg12 : memref<!tpu.dma_semaphore, #tpu.memory_space<semaphore_mem>>)
      %dma_start3A_127 = arith.constant 6 : i32
      %dma_start3A_128 = arith.constant 600 : i32
      %dma_start3A_129 = arith.constant 0 : i32
      %dma_start3A_130 = tpu.memref_slice %arg10[%dma_start3A_128, %dma_start3A_129] : memref<800x64xf32, #tpu.memory_space<vmem>> -> memref<100x64xf32, #tpu.memory_space<vmem>>
      %dma_start3A_131 = arith.constant 0 : i32
      %dma_start3A_132 = tpu.memref_slice %arg8[%dma_start3A_127, %dma_start3A_131] : memref<8x100xi32, #tpu.memory_space<vmem>> -> memref<1x100xi32, #tpu.memory_space<vmem>>
      %dma_start3A_133 = tpu.memref_squeeze %dma_start3A_132 : memref<1x100xi32, #tpu.memory_space<vmem>> -> memref<100xi32, #tpu.memory_space<vmem>>
      %dma_start3A_134 = arith.constant 0 : i32
      %dma_start3A_135 = arith.constant 0 : i32
      %dma_start3A_136 = tpu.memref_slice %arg5[%dma_start3A_134, %dma_start3A_135] : memref<100000x64xf32, #tpu.memory_space<hbm>> -> memref<100000x64xf32, #tpu.memory_space<hbm>>
      tpu.enqueue_indirect_dma source(%dma_start3A_136 : memref<100000x64xf32, #tpu.memory_space<hbm>>) target(%dma_start3A_130 : memref<100x64xf32, #tpu.memory_space<vmem>>) offsets(%dma_start3A_133 : memref<100xi32, #tpu.memory_space<vmem>>) semaphore(%arg12 : memref<!tpu.dma_semaphore, #tpu.memory_space<semaphore_mem>>)
      %dma_start3A_137 = arith.constant 7 : i32
      %dma_start3A_138 = arith.constant 700 : i32
      %dma_start3A_139 = arith.constant 0 : i32
      %dma_start3A_140 = tpu.memref_slice %arg10[%dma_start3A_138, %dma_start3A_139] : memref<800x64xf32, #tpu.memory_space<vmem>> -> memref<100x64xf32, #tpu.memory_space<vmem>>
      %dma_start3A_141 = arith.constant 0 : i32
      %dma_start3A_142 = tpu.memref_slice %arg8[%dma_start3A_137, %dma_start3A_141] : memref<8x100xi32, #tpu.memory_space<vmem>> -> memref<1x100xi32, #tpu.memory_space<vmem>>
      %dma_start3A_143 = tpu.memref_squeeze %dma_start3A_142 : memref<1x100xi32, #tpu.memory_space<vmem>> -> memref<100xi32, #tpu.memory_space<vmem>>
      %dma_start3A_144 = arith.constant 0 : i32
      %dma_start3A_145 = arith.constant 0 : i32
      %dma_start3A_146 = tpu.memref_slice %arg5[%dma_start3A_144, %dma_start3A_145] : memref<100000x64xf32, #tpu.memory_space<hbm>> -> memref<100000x64xf32, #tpu.memory_space<hbm>>
      tpu.enqueue_indirect_dma source(%dma_start3A_146 : memref<100000x64xf32, #tpu.memory_space<hbm>>) target(%dma_start3A_140 : memref<100x64xf32, #tpu.memory_space<vmem>>) offsets(%dma_start3A_143 : memref<100xi32, #tpu.memory_space<vmem>>) semaphore(%arg12 : memref<!tpu.dma_semaphore, #tpu.memory_space<semaphore_mem>>)
      %dma_wait3A = arith.constant 0 : i32
      %dma_wait3A_147 = arith.constant 0 : i32
      %dma_wait3A_148 = tpu.memref_slice %arg4[%dma_wait3A, %dma_wait3A_147] : memref<100000x64xf32, #tpu.memory_space<hbm>> -> memref<100000x64xf32, #tpu.memory_space<hbm>>
      tpu.wait_indirect_dma semaphore(%arg12 : memref<!tpu.dma_semaphore, #tpu.memory_space<semaphore_mem>>) src(%dma_wait3A_148 : memref<100000x64xf32, #tpu.memory_space<hbm>>) dst(%arg9 : memref<16x64xf32, #tpu.memory_space<vmem>>)
      %dma_wait3A_149 = arith.constant 0 : i32
      %dma_wait3A_150 = arith.constant 0 : i32
      %dma_wait3A_151 = arith.constant 0 : i32
      %dma_wait3A_152 = tpu.memref_slice %arg10[%dma_wait3A_150, %dma_wait3A_151] : memref<800x64xf32, #tpu.memory_space<vmem>> -> memref<100x64xf32, #tpu.memory_space<vmem>>
      %dma_wait3A_153 = arith.constant 0 : i32
      %dma_wait3A_154 = tpu.memref_slice %arg8[%dma_wait3A_149, %dma_wait3A_153] : memref<8x100xi32, #tpu.memory_space<vmem>> -> memref<1x100xi32, #tpu.memory_space<vmem>>
      %dma_wait3A_155 = tpu.memref_squeeze %dma_wait3A_154 : memref<1x100xi32, #tpu.memory_space<vmem>> -> memref<100xi32, #tpu.memory_space<vmem>>
      %dma_wait3A_156 = arith.constant 0 : i32
      %dma_wait3A_157 = arith.constant 0 : i32
      %dma_wait3A_158 = tpu.memref_slice %arg5[%dma_wait3A_156, %dma_wait3A_157] : memref<100000x64xf32, #tpu.memory_space<hbm>> -> memref<100000x64xf32, #tpu.memory_space<hbm>>
      tpu.wait_indirect_dma semaphore(%arg12 : memref<!tpu.dma_semaphore, #tpu.memory_space<semaphore_mem>>) src(%dma_wait3A_158 : memref<100000x64xf32, #tpu.memory_space<hbm>>) dst(%dma_wait3A_152 : memref<100x64xf32, #tpu.memory_space<vmem>>)
      %dma_wait3A_159 = arith.constant 1 : i32
      %dma_wait3A_160 = arith.constant 100 : i32
      %dma_wait3A_161 = arith.constant 0 : i32
      %dma_wait3A_162 = tpu.memref_slice %arg10[%dma_wait3A_160, %dma_wait3A_161] : memref<800x64xf32, #tpu.memory_space<vmem>> -> memref<100x64xf32, #tpu.memory_space<vmem>>
      %dma_wait3A_163 = arith.constant 0 : i32
      %dma_wait3A_164 = tpu.memref_slice %arg8[%dma_wait3A_159, %dma_wait3A_163] : memref<8x100xi32, #tpu.memory_space<vmem>> -> memref<1x100xi32, #tpu.memory_space<vmem>>
      %dma_wait3A_165 = tpu.memref_squeeze %dma_wait3A_164 : memref<1x100xi32, #tpu.memory_space<vmem>> -> memref<100xi32, #tpu.memory_space<vmem>>
      %dma_wait3A_166 = arith.constant 0 : i32
      %dma_wait3A_167 = arith.constant 0 : i32
      %dma_wait3A_168 = tpu.memref_slice %arg5[%dma_wait3A_166, %dma_wait3A_167] : memref<100000x64xf32, #tpu.memory_space<hbm>> -> memref<100000x64xf32, #tpu.memory_space<hbm>>
      tpu.wait_indirect_dma semaphore(%arg12 : memref<!tpu.dma_semaphore, #tpu.memory_space<semaphore_mem>>) src(%dma_wait3A_168 : memref<100000x64xf32, #tpu.memory_space<hbm>>) dst(%dma_wait3A_162 : memref<100x64xf32, #tpu.memory_space<vmem>>)
      %dma_wait3A_169 = arith.constant 2 : i32
      %dma_wait3A_170 = arith.constant 200 : i32
      %dma_wait3A_171 = arith.constant 0 : i32
      %dma_wait3A_172 = tpu.memref_slice %arg10[%dma_wait3A_170, %dma_wait3A_171] : memref<800x64xf32, #tpu.memory_space<vmem>> -> memref<100x64xf32, #tpu.memory_space<vmem>>
      %dma_wait3A_173 = arith.constant 0 : i32
      %dma_wait3A_174 = tpu.memref_slice %arg8[%dma_wait3A_169, %dma_wait3A_173] : memref<8x100xi32, #tpu.memory_space<vmem>> -> memref<1x100xi32, #tpu.memory_space<vmem>>
      %dma_wait3A_175 = tpu.memref_squeeze %dma_wait3A_174 : memref<1x100xi32, #tpu.memory_space<vmem>> -> memref<100xi32, #tpu.memory_space<vmem>>
      %dma_wait3A_176 = arith.constant 0 : i32
      %dma_wait3A_177 = arith.constant 0 : i32
      %dma_wait3A_178 = tpu.memref_slice %arg5[%dma_wait3A_176, %dma_wait3A_177] : memref<100000x64xf32, #tpu.memory_space<hbm>> -> memref<100000x64xf32, #tpu.memory_space<hbm>>
      tpu.wait_indirect_dma semaphore(%arg12 : memref<!tpu.dma_semaphore, #tpu.memory_space<semaphore_mem>>) src(%dma_wait3A_178 : memref<100000x64xf32, #tpu.memory_space<hbm>>) dst(%dma_wait3A_172 : memref<100x64xf32, #tpu.memory_space<vmem>>)
      %dma_wait3A_179 = arith.constant 3 : i32
      %dma_wait3A_180 = arith.constant 300 : i32
      %dma_wait3A_181 = arith.constant 0 : i32
      %dma_wait3A_182 = tpu.memref_slice %arg10[%dma_wait3A_180, %dma_wait3A_181] : memref<800x64xf32, #tpu.memory_space<vmem>> -> memref<100x64xf32, #tpu.memory_space<vmem>>
      %dma_wait3A_183 = arith.constant 0 : i32
      %dma_wait3A_184 = tpu.memref_slice %arg8[%dma_wait3A_179, %dma_wait3A_183] : memref<8x100xi32, #tpu.memory_space<vmem>> -> memref<1x100xi32, #tpu.memory_space<vmem>>
      %dma_wait3A_185 = tpu.memref_squeeze %dma_wait3A_184 : memref<1x100xi32, #tpu.memory_space<vmem>> -> memref<100xi32, #tpu.memory_space<vmem>>
      %dma_wait3A_186 = arith.constant 0 : i32
      %dma_wait3A_187 = arith.constant 0 : i32
      %dma_wait3A_188 = tpu.memref_slice %arg5[%dma_wait3A_186, %dma_wait3A_187] : memref<100000x64xf32, #tpu.memory_space<hbm>> -> memref<100000x64xf32, #tpu.memory_space<hbm>>
      tpu.wait_indirect_dma semaphore(%arg12 : memref<!tpu.dma_semaphore, #tpu.memory_space<semaphore_mem>>) src(%dma_wait3A_188 : memref<100000x64xf32, #tpu.memory_space<hbm>>) dst(%dma_wait3A_182 : memref<100x64xf32, #tpu.memory_space<vmem>>)
      %dma_wait3A_189 = arith.constant 4 : i32
      %dma_wait3A_190 = arith.constant 400 : i32
      %dma_wait3A_191 = arith.constant 0 : i32
      %dma_wait3A_192 = tpu.memref_slice %arg10[%dma_wait3A_190, %dma_wait3A_191] : memref<800x64xf32, #tpu.memory_space<vmem>> -> memref<100x64xf32, #tpu.memory_space<vmem>>
      %dma_wait3A_193 = arith.constant 0 : i32
      %dma_wait3A_194 = tpu.memref_slice %arg8[%dma_wait3A_189, %dma_wait3A_193] : memref<8x100xi32, #tpu.memory_space<vmem>> -> memref<1x100xi32, #tpu.memory_space<vmem>>
      %dma_wait3A_195 = tpu.memref_squeeze %dma_wait3A_194 : memref<1x100xi32, #tpu.memory_space<vmem>> -> memref<100xi32, #tpu.memory_space<vmem>>
      %dma_wait3A_196 = arith.constant 0 : i32
      %dma_wait3A_197 = arith.constant 0 : i32
      %dma_wait3A_198 = tpu.memref_slice %arg5[%dma_wait3A_196, %dma_wait3A_197] : memref<100000x64xf32, #tpu.memory_space<hbm>> -> memref<100000x64xf32, #tpu.memory_space<hbm>>
      tpu.wait_indirect_dma semaphore(%arg12 : memref<!tpu.dma_semaphore, #tpu.memory_space<semaphore_mem>>) src(%dma_wait3A_198 : memref<100000x64xf32, #tpu.memory_space<hbm>>) dst(%dma_wait3A_192 : memref<100x64xf32, #tpu.memory_space<vmem>>)
      %dma_wait3A_199 = arith.constant 5 : i32
      %dma_wait3A_200 = arith.constant 500 : i32
      %dma_wait3A_201 = arith.constant 0 : i32
      %dma_wait3A_202 = tpu.memref_slice %arg10[%dma_wait3A_200, %dma_wait3A_201] : memref<800x64xf32, #tpu.memory_space<vmem>> -> memref<100x64xf32, #tpu.memory_space<vmem>>
      %dma_wait3A_203 = arith.constant 0 : i32
      %dma_wait3A_204 = tpu.memref_slice %arg8[%dma_wait3A_199, %dma_wait3A_203] : memref<8x100xi32, #tpu.memory_space<vmem>> -> memref<1x100xi32, #tpu.memory_space<vmem>>
      %dma_wait3A_205 = tpu.memref_squeeze %dma_wait3A_204 : memref<1x100xi32, #tpu.memory_space<vmem>> -> memref<100xi32, #tpu.memory_space<vmem>>
      %dma_wait3A_206 = arith.constant 0 : i32
      %dma_wait3A_207 = arith.constant 0 : i32
      %dma_wait3A_208 = tpu.memref_slice %arg5[%dma_wait3A_206, %dma_wait3A_207] : memref<100000x64xf32, #tpu.memory_space<hbm>> -> memref<100000x64xf32, #tpu.memory_space<hbm>>
      tpu.wait_indirect_dma semaphore(%arg12 : memref<!tpu.dma_semaphore, #tpu.memory_space<semaphore_mem>>) src(%dma_wait3A_208 : memref<100000x64xf32, #tpu.memory_space<hbm>>) dst(%dma_wait3A_202 : memref<100x64xf32, #tpu.memory_space<vmem>>)
      %dma_wait3A_209 = arith.constant 6 : i32
      %dma_wait3A_210 = arith.constant 600 : i32
      %dma_wait3A_211 = arith.constant 0 : i32
      %dma_wait3A_212 = tpu.memref_slice %arg10[%dma_wait3A_210, %dma_wait3A_211] : memref<800x64xf32, #tpu.memory_space<vmem>> -> memref<100x64xf32, #tpu.memory_space<vmem>>
      %dma_wait3A_213 = arith.constant 0 : i32
      %dma_wait3A_214 = tpu.memref_slice %arg8[%dma_wait3A_209, %dma_wait3A_213] : memref<8x100xi32, #tpu.memory_space<vmem>> -> memref<1x100xi32, #tpu.memory_space<vmem>>
      %dma_wait3A_215 = tpu.memref_squeeze %dma_wait3A_214 : memref<1x100xi32, #tpu.memory_space<vmem>> -> memref<100xi32, #tpu.memory_space<vmem>>
      %dma_wait3A_216 = arith.constant 0 : i32
      %dma_wait3A_217 = arith.constant 0 : i32
      %dma_wait3A_218 = tpu.memref_slice %arg5[%dma_wait3A_216, %dma_wait3A_217] : memref<100000x64xf32, #tpu.memory_space<hbm>> -> memref<100000x64xf32, #tpu.memory_space<hbm>>
      tpu.wait_indirect_dma semaphore(%arg12 : memref<!tpu.dma_semaphore, #tpu.memory_space<semaphore_mem>>) src(%dma_wait3A_218 : memref<100000x64xf32, #tpu.memory_space<hbm>>) dst(%dma_wait3A_212 : memref<100x64xf32, #tpu.memory_space<vmem>>)
      %dma_wait3A_219 = arith.constant 7 : i32
      %dma_wait3A_220 = arith.constant 700 : i32
      %dma_wait3A_221 = arith.constant 0 : i32
      %dma_wait3A_222 = tpu.memref_slice %arg10[%dma_wait3A_220, %dma_wait3A_221] : memref<800x64xf32, #tpu.memory_space<vmem>> -> memref<100x64xf32, #tpu.memory_space<vmem>>
      %dma_wait3A_223 = arith.constant 0 : i32
      %dma_wait3A_224 = tpu.memref_slice %arg8[%dma_wait3A_219, %dma_wait3A_223] : memref<8x100xi32, #tpu.memory_space<vmem>> -> memref<1x100xi32, #tpu.memory_space<vmem>>
      %dma_wait3A_225 = tpu.memref_squeeze %dma_wait3A_224 : memref<1x100xi32, #tpu.memory_space<vmem>> -> memref<100xi32, #tpu.memory_space<vmem>>
      %dma_wait3A_226 = arith.constant 0 : i32
      %dma_wait3A_227 = arith.constant 0 : i32
      %dma_wait3A_228 = tpu.memref_slice %arg5[%dma_wait3A_226, %dma_wait3A_227] : memref<100000x64xf32, #tpu.memory_space<hbm>> -> memref<100000x64xf32, #tpu.memory_space<hbm>>
      tpu.wait_indirect_dma semaphore(%arg12 : memref<!tpu.dma_semaphore, #tpu.memory_space<semaphore_mem>>) src(%dma_wait3A_228 : memref<100000x64xf32, #tpu.memory_space<hbm>>) dst(%dma_wait3A_222 : memref<100x64xf32, #tpu.memory_space<vmem>>)
      %scan3A_229 = arith.constant 0 : i32
      %scan3A_230 = arith.constant 64 : i32
      %scan3A_231 = arith.addi %scan3A_229, %scan3A_230 : i32
      %scan3A_232 = arith.constant 1 : i32
      scf.for %scan3A_234 = %scan3A_229 to %scan3A_231 step %scan3A_232  : i32 {
        %jit3A_235 = arith.constant 4 : i32
        %div3A_236 = arith.divsi %scan3A_234, %jit3A_235 : i32
        %sign3A_237 = arith.constant 0 : i32
        %sign3A_238 = arith.cmpi sgt, %scan3A_234, %sign3A_237 : i32
        %sign3A_239 = arith.extui %sign3A_238 : i1 to i32
        %sign3A_240 = arith.constant 0 : i32
        %sign3A_241 = arith.cmpi slt, %scan3A_234, %sign3A_240 : i32
        %sign3A_242 = arith.extui %sign3A_241 : i1 to i32
        %sign3A_243 = arith.subi %sign3A_239, %sign3A_242 : i32
        %sign3A_244 = arith.constant 0 : i32
        %sign3A_245 = arith.cmpi sgt, %jit3A_235, %sign3A_244 : i32
        %sign3A_246 = arith.extui %sign3A_245 : i1 to i32
        %sign3A_247 = arith.constant 0 : i32
        %sign3A_248 = arith.cmpi slt, %jit3A_235, %sign3A_247 : i32
        %sign3A_249 = arith.extui %sign3A_248 : i1 to i32
        %sign3A_250 = arith.subi %sign3A_246, %sign3A_249 : i32
        %ne3A_251 = arith.cmpi ne, %sign3A_243, %sign3A_250 : i32
        %rem3A_252 = arith.remsi %scan3A_234, %jit3A_235 : i32
        %ne3A_253 = arith.constant 0 : i32
        %ne3A_254 = arith.cmpi ne, %rem3A_252, %ne3A_253 : i32
        %and3A_255 = arith.andi %ne3A_251, %ne3A_254 : i1
        %sub3A_256 = arith.constant 1 : i32
        %sub3A_257 = arith.subi %div3A_236, %sub3A_256 : i32
        %select_n3A_258 = arith.select %and3A_255, %sub3A_257, %div3A_236 : i32
        %jit3A_259 = arith.constant 4 : i32
        %eq3A_260 = arith.constant 0 : i32
        %eq3A_261 = arith.cmpi eq, %jit3A_259, %eq3A_260 : i32
        %jit3A_262 = arith.constant 1 : i32
        %select_n3A_263 = arith.select %eq3A_261, %jit3A_262, %jit3A_259 : i32
        %rem3A_264 = arith.remsi %scan3A_234, %select_n3A_263 : i32
        %ne3A_265 = arith.constant 0 : i32
        %ne3A_266 = arith.cmpi ne, %rem3A_264, %ne3A_265 : i32
        %lt3A = arith.constant 0 : i32
        %lt3A_267 = arith.cmpi slt, %rem3A_264, %lt3A : i32
        %lt3A_268 = arith.constant 0 : i32
        %lt3A_269 = arith.cmpi slt, %select_n3A_263, %lt3A_268 : i32
        %ne3A_270 = arith.xori %lt3A_267, %lt3A_269 : i1
        %and3A_271 = arith.andi %ne3A_270, %ne3A_266 : i1
        %add3A_272 = arith.addi %rem3A_264, %select_n3A_263 : i32
        %select_n3A_273 = arith.select %and3A_271, %add3A_272, %rem3A_264 : i32
        %mul3A_274 = arith.constant 16 : i32
        %mul3A_275 = arith.muli %select_n3A_273, %mul3A_274 : i32
        %min3A = arith.constant 34 : i32
        %min3A_276 = arith.minsi %mul3A_275, %min3A : i32
        %get3A = arith.index_cast %select_n3A_258 : i32 to index
        %get3A_277 = arith.constant 0 : index
        %get3A_278 = tpu.vector_load %arg9[%get3A, %get3A_277] {strides = array<i32>} : memref<16x64xf32, #tpu.memory_space<vmem>>, vector<1x16xf32>,
        %get3A_279 = vector.shape_cast %get3A_278 : vector<1x16xf32> to vector<16xf32>
        %get3A_280 = arith.index_cast %select_n3A_258 : i32 to index
        %get3A_281 = arith.constant 16 : index
        %get3A_282 = tpu.vector_load %arg9[%get3A_280, %get3A_281] {strides = array<i32>} : memref<16x64xf32, #tpu.memory_space<vmem>>, vector<1x16xf32>,
        %get3A_283 = vector.shape_cast %get3A_282 : vector<1x16xf32> to vector<16xf32>
        %get3A_284 = arith.index_cast %select_n3A_258 : i32 to index
        %get3A_285 = arith.constant 32 : index
        %get3A_286 = tpu.vector_load %arg9[%get3A_284, %get3A_285] {strides = array<i32>} : memref<16x64xf32, #tpu.memory_space<vmem>>, vector<1x16xf32>,
        %get3A_287 = vector.shape_cast %get3A_286 : vector<1x16xf32> to vector<16xf32>
        %get3A_288 = arith.index_cast %select_n3A_258 : i32 to index
        %get3A_289 = arith.constant 48 : index
        %get3A_290 = tpu.vector_load %arg9[%get3A_288, %get3A_289] {strides = array<i32>} : memref<16x64xf32, #tpu.memory_space<vmem>>, vector<1x16xf32>,
        %get3A_291 = vector.shape_cast %get3A_290 : vector<1x16xf32> to vector<16xf32>
        %mul3A_292 = arith.constant 50 : i32
        %mul3A_293 = arith.muli %select_n3A_258, %mul3A_292 : i32
        %add3A_294 = arith.addi %mul3A_293, %min3A_276 : i32
        %add3A_295 = arith.constant 0 : i32
        %add3A_296 = arith.addi %add3A_294, %add3A_295 : i32
        %get3A_297 = arith.index_cast %add3A_296 : i32 to index
        %get3A_298 = arith.constant 0 : index
        %get3A_299 = tpu.vector_load %arg10[%get3A_297, %get3A_298] {strides = array<i32>} : memref<800x64xf32, #tpu.memory_space<vmem>>, vector<1x16xf32>,
        %get3A_300 = vector.shape_cast %get3A_299 : vector<1x16xf32> to vector<16xf32>
        %mul3A_301 = arith.mulf %get3A_300, %get3A_279 : vector<16xf32>
        %get3A_302 = arith.index_cast %add3A_296 : i32 to index
        %get3A_303 = arith.constant 16 : index
        %get3A_304 = tpu.vector_load %arg10[%get3A_302, %get3A_303] {strides = array<i32>} : memref<800x64xf32, #tpu.memory_space<vmem>>, vector<1x16xf32>,
        %get3A_305 = vector.shape_cast %get3A_304 : vector<1x16xf32> to vector<16xf32>
        %mul3A_306 = arith.mulf %get3A_305, %get3A_283 : vector<16xf32>
        %add3A_307 = arith.addf %mul3A_301, %mul3A_306 : vector<16xf32>
        %get3A_308 = arith.index_cast %add3A_296 : i32 to index
        %get3A_309 = arith.constant 32 : index
        %get3A_310 = tpu.vector_load %arg10[%get3A_308, %get3A_309] {strides = array<i32>} : memref<800x64xf32, #tpu.memory_space<vmem>>, vector<1x16xf32>,
        %get3A_311 = vector.shape_cast %get3A_310 : vector<1x16xf32> to vector<16xf32>
        %mul3A_312 = arith.mulf %get3A_311, %get3A_287 : vector<16xf32>
        %get3A_313 = arith.index_cast %add3A_296 : i32 to index
        %get3A_314 = arith.constant 48 : index
        %get3A_315 = tpu.vector_load %arg10[%get3A_313, %get3A_314] {strides = array<i32>} : memref<800x64xf32, #tpu.memory_space<vmem>>, vector<1x16xf32>,
        %get3A_316 = vector.shape_cast %get3A_315 : vector<1x16xf32> to vector<16xf32>
        %mul3A_317 = arith.mulf %get3A_316, %get3A_291 : vector<16xf32>
        %add3A_318 = arith.addf %mul3A_312, %mul3A_317 : vector<16xf32>
        %add3A_319 = arith.addf %add3A_307, %add3A_318 : vector<16xf32>
        %add3A_320 = arith.constant 8 : i32
        %add3A_321 = arith.addi %add3A_294, %add3A_320 : i32
        %get3A_322 = arith.index_cast %add3A_321 : i32 to index
        %get3A_323 = arith.constant 0 : index
        %get3A_324 = tpu.vector_load %arg10[%get3A_322, %get3A_323] {strides = array<i32>} : memref<800x64xf32, #tpu.memory_space<vmem>>, vector<1x16xf32>,
        %get3A_325 = vector.shape_cast %get3A_324 : vector<1x16xf32> to vector<16xf32>
        %mul3A_326 = arith.mulf %get3A_325, %get3A_279 : vector<16xf32>
        %get3A_327 = arith.index_cast %add3A_321 : i32 to index
        %get3A_328 = arith.constant 16 : index
        %get3A_329 = tpu.vector_load %arg10[%get3A_327, %get3A_328] {strides = array<i32>} : memref<800x64xf32, #tpu.memory_space<vmem>>, vector<1x16xf32>,
        %get3A_330 = vector.shape_cast %get3A_329 : vector<1x16xf32> to vector<16xf32>
        %mul3A_331 = arith.mulf %get3A_330, %get3A_283 : vector<16xf32>
        %add3A_332 = arith.addf %mul3A_326, %mul3A_331 : vector<16xf32>
        %get3A_333 = arith.index_cast %add3A_321 : i32 to index
        %get3A_334 = arith.constant 32 : index
        %get3A_335 = tpu.vector_load %arg10[%get3A_333, %get3A_334] {strides = array<i32>} : memref<800x64xf32, #tpu.memory_space<vmem>>, vector<1x16xf32>,
        %get3A_336 = vector.shape_cast %get3A_335 : vector<1x16xf32> to vector<16xf32>
        %mul3A_337 = arith.mulf %get3A_336, %get3A_287 : vector<16xf32>
        %get3A_338 = arith.index_cast %add3A_321 : i32 to index
        %get3A_339 = arith.constant 48 : index
        %get3A_340 = tpu.vector_load %arg10[%get3A_338, %get3A_339] {strides = array<i32>} : memref<800x64xf32, #tpu.memory_space<vmem>>, vector<1x16xf32>,
        %get3A_341 = vector.shape_cast %get3A_340 : vector<1x16xf32> to vector<16xf32>
        %mul3A_342 = arith.mulf %get3A_341, %get3A_291 : vector<16xf32>
        %add3A_343 = arith.addf %mul3A_337, %mul3A_342 : vector<16xf32>
        %add3A_344 = arith.addf %add3A_332, %add3A_343 : vector<16xf32>
        %add3A_345 = arith.constant 4 : i32
        %add3A_346 = arith.addi %add3A_294, %add3A_345 : i32
        %get3A_347 = arith.index_cast %add3A_346 : i32 to index
        %get3A_348 = arith.constant 0 : index
        %get3A_349 = tpu.vector_load %arg10[%get3A_347, %get3A_348] {strides = array<i32>} : memref<800x64xf32, #tpu.memory_space<vmem>>, vector<1x16xf32>,
        %get3A_350 = vector.shape_cast %get3A_349 : vector<1x16xf32> to vector<16xf32>
        %mul3A_351 = arith.mulf %get3A_350, %get3A_279 : vector<16xf32>
        %get3A_352 = arith.index_cast %add3A_346 : i32 to index
        %get3A_353 = arith.constant 16 : index
        %get3A_354 = tpu.vector_load %arg10[%get3A_352, %get3A_353] {strides = array<i32>} : memref<800x64xf32, #tpu.memory_space<vmem>>, vector<1x16xf32>,
        %get3A_355 = vector.shape_cast %get3A_354 : vector<1x16xf32> to vector<16xf32>
        %mul3A_356 = arith.mulf %get3A_355, %get3A_283 : vector<16xf32>
        %add3A_357 = arith.addf %mul3A_351, %mul3A_356 : vector<16xf32>
        %get3A_358 = arith.index_cast %add3A_346 : i32 to index
        %get3A_359 = arith.constant 32 : index
        %get3A_360 = tpu.vector_load %arg10[%get3A_358, %get3A_359] {strides = array<i32>} : memref<800x64xf32, #tpu.memory_space<vmem>>, vector<1x16xf32>,
        %get3A_361 = vector.shape_cast %get3A_360 : vector<1x16xf32> to vector<16xf32>
        %mul3A_362 = arith.mulf %get3A_361, %get3A_287 : vector<16xf32>
        %get3A_363 = arith.index_cast %add3A_346 : i32 to index
        %get3A_364 = arith.constant 48 : index
        %get3A_365 = tpu.vector_load %arg10[%get3A_363, %get3A_364] {strides = array<i32>} : memref<800x64xf32, #tpu.memory_space<vmem>>, vector<1x16xf32>,
        %get3A_366 = vector.shape_cast %get3A_365 : vector<1x16xf32> to vector<16xf32>
        %mul3A_367 = arith.mulf %get3A_366, %get3A_291 : vector<16xf32>
        %add3A_368 = arith.addf %mul3A_362, %mul3A_367 : vector<16xf32>
        %add3A_369 = arith.addf %add3A_357, %add3A_368 : vector<16xf32>
        %add3A_370 = arith.constant 12 : i32
        %add3A_371 = arith.addi %add3A_294, %add3A_370 : i32
        %get3A_372 = arith.index_cast %add3A_371 : i32 to index
        %get3A_373 = arith.constant 0 : index
        %get3A_374 = tpu.vector_load %arg10[%get3A_372, %get3A_373] {strides = array<i32>} : memref<800x64xf32, #tpu.memory_space<vmem>>, vector<1x16xf32>,
        %get3A_375 = vector.shape_cast %get3A_374 : vector<1x16xf32> to vector<16xf32>
        %mul3A_376 = arith.mulf %get3A_375, %get3A_279 : vector<16xf32>
        %get3A_377 = arith.index_cast %add3A_371 : i32 to index
        %get3A_378 = arith.constant 16 : index
        %get3A_379 = tpu.vector_load %arg10[%get3A_377, %get3A_378] {strides = array<i32>} : memref<800x64xf32, #tpu.memory_space<vmem>>, vector<1x16xf32>,
        %get3A_380 = vector.shape_cast %get3A_379 : vector<1x16xf32> to vector<16xf32>
        %mul3A_381 = arith.mulf %get3A_380, %get3A_283 : vector<16xf32>
        %add3A_382 = arith.addf %mul3A_376, %mul3A_381 : vector<16xf32>
        %get3A_383 = arith.index_cast %add3A_371 : i32 to index
        %get3A_384 = arith.constant 32 : index
        %get3A_385 = tpu.vector_load %arg10[%get3A_383, %get3A_384] {strides = array<i32>} : memref<800x64xf32, #tpu.memory_space<vmem>>, vector<1x16xf32>,
        %get3A_386 = vector.shape_cast %get3A_385 : vector<1x16xf32> to vector<16xf32>
        %mul3A_387 = arith.mulf %get3A_386, %get3A_287 : vector<16xf32>
        %get3A_388 = arith.index_cast %add3A_371 : i32 to index
        %get3A_389 = arith.constant 48 : index
        %get3A_390 = tpu.vector_load %arg10[%get3A_388, %get3A_389] {strides = array<i32>} : memref<800x64xf32, #tpu.memory_space<vmem>>, vector<1x16xf32>,
        %get3A_391 = vector.shape_cast %get3A_390 : vector<1x16xf32> to vector<16xf32>
        %mul3A_392 = arith.mulf %get3A_391, %get3A_291 : vector<16xf32>
        %add3A_393 = arith.addf %mul3A_387, %mul3A_392 : vector<16xf32>
        %add3A_394 = arith.addf %add3A_382, %add3A_393 : vector<16xf32>
        %add3A_395 = arith.constant 2 : i32
        %add3A_396 = arith.addi %add3A_294, %add3A_395 : i32
        %get3A_397 = arith.index_cast %add3A_396 : i32 to index
        %get3A_398 = arith.constant 0 : index
        %get3A_399 = tpu.vector_load %arg10[%get3A_397, %get3A_398] {strides = array<i32>} : memref<800x64xf32, #tpu.memory_space<vmem>>, vector<1x16xf32>,
        %get3A_400 = vector.shape_cast %get3A_399 : vector<1x16xf32> to vector<16xf32>
        %mul3A_401 = arith.mulf %get3A_400, %get3A_279 : vector<16xf32>
        %get3A_402 = arith.index_cast %add3A_396 : i32 to index
        %get3A_403 = arith.constant 16 : index
        %get3A_404 = tpu.vector_load %arg10[%get3A_402, %get3A_403] {strides = array<i32>} : memref<800x64xf32, #tpu.memory_space<vmem>>, vector<1x16xf32>,
        %get3A_405 = vector.shape_cast %get3A_404 : vector<1x16xf32> to vector<16xf32>
        %mul3A_406 = arith.mulf %get3A_405, %get3A_283 : vector<16xf32>
        %add3A_407 = arith.addf %mul3A_401, %mul3A_406 : vector<16xf32>
        %get3A_408 = arith.index_cast %add3A_396 : i32 to index
        %get3A_409 = arith.constant 32 : index
        %get3A_410 = tpu.vector_load %arg10[%get3A_408, %get3A_409] {strides = array<i32>} : memref<800x64xf32, #tpu.memory_space<vmem>>, vector<1x16xf32>,
        %get3A_411 = vector.shape_cast %get3A_410 : vector<1x16xf32> to vector<16xf32>
        %mul3A_412 = arith.mulf %get3A_411, %get3A_287 : vector<16xf32>
        %get3A_413 = arith.index_cast %add3A_396 : i32 to index
        %get3A_414 = arith.constant 48 : index
        %get3A_415 = tpu.vector_load %arg10[%get3A_413, %get3A_414] {strides = array<i32>} : memref<800x64xf32, #tpu.memory_space<vmem>>, vector<1x16xf32>,
        %get3A_416 = vector.shape_cast %get3A_415 : vector<1x16xf32> to vector<16xf32>
        %mul3A_417 = arith.mulf %get3A_416, %get3A_291 : vector<16xf32>
        %add3A_418 = arith.addf %mul3A_412, %mul3A_417 : vector<16xf32>
        %add3A_419 = arith.addf %add3A_407, %add3A_418 : vector<16xf32>
        %add3A_420 = arith.constant 10 : i32
        %add3A_421 = arith.addi %add3A_294, %add3A_420 : i32
        %get3A_422 = arith.index_cast %add3A_421 : i32 to index
        %get3A_423 = arith.constant 0 : index
        %get3A_424 = tpu.vector_load %arg10[%get3A_422, %get3A_423] {strides = array<i32>} : memref<800x64xf32, #tpu.memory_space<vmem>>, vector<1x16xf32>,
        %get3A_425 = vector.shape_cast %get3A_424 : vector<1x16xf32> to vector<16xf32>
        %mul3A_426 = arith.mulf %get3A_425, %get3A_279 : vector<16xf32>
        %get3A_427 = arith.index_cast %add3A_421 : i32 to index
        %get3A_428 = arith.constant 16 : index
        %get3A_429 = tpu.vector_load %arg10[%get3A_427, %get3A_428] {strides = array<i32>} : memref<800x64xf32, #tpu.memory_space<vmem>>, vector<1x16xf32>,
        %get3A_430 = vector.shape_cast %get3A_429 : vector<1x16xf32> to vector<16xf32>
        %mul3A_431 = arith.mulf %get3A_430, %get3A_283 : vector<16xf32>
        %add3A_432 = arith.addf %mul3A_426, %mul3A_431 : vector<16xf32>
        %get3A_433 = arith.index_cast %add3A_421 : i32 to index
        %get3A_434 = arith.constant 32 : index
        %get3A_435 = tpu.vector_load %arg10[%get3A_433, %get3A_434] {strides = array<i32>} : memref<800x64xf32, #tpu.memory_space<vmem>>, vector<1x16xf32>,
        %get3A_436 = vector.shape_cast %get3A_435 : vector<1x16xf32> to vector<16xf32>
        %mul3A_437 = arith.mulf %get3A_436, %get3A_287 : vector<16xf32>
        %get3A_438 = arith.index_cast %add3A_421 : i32 to index
        %get3A_439 = arith.constant 48 : index
        %get3A_440 = tpu.vector_load %arg10[%get3A_438, %get3A_439] {strides = array<i32>} : memref<800x64xf32, #tpu.memory_space<vmem>>, vector<1x16xf32>,
        %get3A_441 = vector.shape_cast %get3A_440 : vector<1x16xf32> to vector<16xf32>
        %mul3A_442 = arith.mulf %get3A_441, %get3A_291 : vector<16xf32>
        %add3A_443 = arith.addf %mul3A_437, %mul3A_442 : vector<16xf32>
        %add3A_444 = arith.addf %add3A_432, %add3A_443 : vector<16xf32>
        %add3A_445 = arith.constant 6 : i32
        %add3A_446 = arith.addi %add3A_294, %add3A_445 : i32
        %get3A_447 = arith.index_cast %add3A_446 : i32 to index
        %get3A_448 = arith.constant 0 : index
        %get3A_449 = tpu.vector_load %arg10[%get3A_447, %get3A_448] {strides = array<i32>} : memref<800x64xf32, #tpu.memory_space<vmem>>, vector<1x16xf32>,
        %get3A_450 = vector.shape_cast %get3A_449 : vector<1x16xf32> to vector<16xf32>
        %mul3A_451 = arith.mulf %get3A_450, %get3A_279 : vector<16xf32>
        %get3A_452 = arith.index_cast %add3A_446 : i32 to index
        %get3A_453 = arith.constant 16 : index
        %get3A_454 = tpu.vector_load %arg10[%get3A_452, %get3A_453] {strides = array<i32>} : memref<800x64xf32, #tpu.memory_space<vmem>>, vector<1x16xf32>,
        %get3A_455 = vector.shape_cast %get3A_454 : vector<1x16xf32> to vector<16xf32>
        %mul3A_456 = arith.mulf %get3A_455, %get3A_283 : vector<16xf32>
        %add3A_457 = arith.addf %mul3A_451, %mul3A_456 : vector<16xf32>
        %get3A_458 = arith.index_cast %add3A_446 : i32 to index
        %get3A_459 = arith.constant 32 : index
        %get3A_460 = tpu.vector_load %arg10[%get3A_458, %get3A_459] {strides = array<i32>} : memref<800x64xf32, #tpu.memory_space<vmem>>, vector<1x16xf32>,
        %get3A_461 = vector.shape_cast %get3A_460 : vector<1x16xf32> to vector<16xf32>
        %mul3A_462 = arith.mulf %get3A_461, %get3A_287 : vector<16xf32>
        %get3A_463 = arith.index_cast %add3A_446 : i32 to index
        %get3A_464 = arith.constant 48 : index
        %get3A_465 = tpu.vector_load %arg10[%get3A_463, %get3A_464] {strides = array<i32>} : memref<800x64xf32, #tpu.memory_space<vmem>>, vector<1x16xf32>,
        %get3A_466 = vector.shape_cast %get3A_465 : vector<1x16xf32> to vector<16xf32>
        %mul3A_467 = arith.mulf %get3A_466, %get3A_291 : vector<16xf32>
        %add3A_468 = arith.addf %mul3A_462, %mul3A_467 : vector<16xf32>
        %add3A_469 = arith.addf %add3A_457, %add3A_468 : vector<16xf32>
        %add3A_470 = arith.constant 14 : i32
        %add3A_471 = arith.addi %add3A_294, %add3A_470 : i32
        %get3A_472 = arith.index_cast %add3A_471 : i32 to index
        %get3A_473 = arith.constant 0 : index
        %get3A_474 = tpu.vector_load %arg10[%get3A_472, %get3A_473] {strides = array<i32>} : memref<800x64xf32, #tpu.memory_space<vmem>>, vector<1x16xf32>,
        %get3A_475 = vector.shape_cast %get3A_474 : vector<1x16xf32> to vector<16xf32>
        %mul3A_476 = arith.mulf %get3A_475, %get3A_279 : vector<16xf32>
        %get3A_477 = arith.index_cast %add3A_471 : i32 to index
        %get3A_478 = arith.constant 16 : index
        %get3A_479 = tpu.vector_load %arg10[%get3A_477, %get3A_478] {strides = array<i32>} : memref<800x64xf32, #tpu.memory_space<vmem>>, vector<1x16xf32>,
        %get3A_480 = vector.shape_cast %get3A_479 : vector<1x16xf32> to vector<16xf32>
        %mul3A_481 = arith.mulf %get3A_480, %get3A_283 : vector<16xf32>
        %add3A_482 = arith.addf %mul3A_476, %mul3A_481 : vector<16xf32>
        %get3A_483 = arith.index_cast %add3A_471 : i32 to index
        %get3A_484 = arith.constant 32 : index
        %get3A_485 = tpu.vector_load %arg10[%get3A_483, %get3A_484] {strides = array<i32>} : memref<800x64xf32, #tpu.memory_space<vmem>>, vector<1x16xf32>,
        %get3A_486 = vector.shape_cast %get3A_485 : vector<1x16xf32> to vector<16xf32>
        %mul3A_487 = arith.mulf %get3A_486, %get3A_287 : vector<16xf32>
        %get3A_488 = arith.index_cast %add3A_471 : i32 to index
        %get3A_489 = arith.constant 48 : index
        %get3A_490 = tpu.vector_load %arg10[%get3A_488, %get3A_489] {strides = array<i32>} : memref<800x64xf32, #tpu.memory_space<vmem>>, vector<1x16xf32>,
        %get3A_491 = vector.shape_cast %get3A_490 : vector<1x16xf32> to vector<16xf32>
        %mul3A_492 = arith.mulf %get3A_491, %get3A_291 : vector<16xf32>
        %add3A_493 = arith.addf %mul3A_487, %mul3A_492 : vector<16xf32>
        %add3A_494 = arith.addf %add3A_482, %add3A_493 : vector<16xf32>
        %add3A_495 = arith.constant 1 : i32
        %add3A_496 = arith.addi %add3A_294, %add3A_495 : i32
        %get3A_497 = arith.index_cast %add3A_496 : i32 to index
        %get3A_498 = arith.constant 0 : index
        %get3A_499 = tpu.vector_load %arg10[%get3A_497, %get3A_498] {strides = array<i32>} : memref<800x64xf32, #tpu.memory_space<vmem>>, vector<1x16xf32>,
        %get3A_500 = vector.shape_cast %get3A_499 : vector<1x16xf32> to vector<16xf32>
        %mul3A_501 = arith.mulf %get3A_500, %get3A_279 : vector<16xf32>
        %get3A_502 = arith.index_cast %add3A_496 : i32 to index
        %get3A_503 = arith.constant 16 : index
        %get3A_504 = tpu.vector_load %arg10[%get3A_502, %get3A_503] {strides = array<i32>} : memref<800x64xf32, #tpu.memory_space<vmem>>, vector<1x16xf32>,
        %get3A_505 = vector.shape_cast %get3A_504 : vector<1x16xf32> to vector<16xf32>
        %mul3A_506 = arith.mulf %get3A_505, %get3A_283 : vector<16xf32>
        %add3A_507 = arith.addf %mul3A_501, %mul3A_506 : vector<16xf32>
        %get3A_508 = arith.index_cast %add3A_496 : i32 to index
        %get3A_509 = arith.constant 32 : index
        %get3A_510 = tpu.vector_load %arg10[%get3A_508, %get3A_509] {strides = array<i32>} : memref<800x64xf32, #tpu.memory_space<vmem>>, vector<1x16xf32>,
        %get3A_511 = vector.shape_cast %get3A_510 : vector<1x16xf32> to vector<16xf32>
        %mul3A_512 = arith.mulf %get3A_511, %get3A_287 : vector<16xf32>
        %get3A_513 = arith.index_cast %add3A_496 : i32 to index
        %get3A_514 = arith.constant 48 : index
        %get3A_515 = tpu.vector_load %arg10[%get3A_513, %get3A_514] {strides = array<i32>} : memref<800x64xf32, #tpu.memory_space<vmem>>, vector<1x16xf32>,
        %get3A_516 = vector.shape_cast %get3A_515 : vector<1x16xf32> to vector<16xf32>
        %mul3A_517 = arith.mulf %get3A_516, %get3A_291 : vector<16xf32>
        %add3A_518 = arith.addf %mul3A_512, %mul3A_517 : vector<16xf32>
        %add3A_519 = arith.addf %add3A_507, %add3A_518 : vector<16xf32>
        %add3A_520 = arith.constant 9 : i32
        %add3A_521 = arith.addi %add3A_294, %add3A_520 : i32
        %get3A_522 = arith.index_cast %add3A_521 : i32 to index
        %get3A_523 = arith.constant 0 : index
        %get3A_524 = tpu.vector_load %arg10[%get3A_522, %get3A_523] {strides = array<i32>} : memref<800x64xf32, #tpu.memory_space<vmem>>, vector<1x16xf32>,
        %get3A_525 = vector.shape_cast %get3A_524 : vector<1x16xf32> to vector<16xf32>
        %mul3A_526 = arith.mulf %get3A_525, %get3A_279 : vector<16xf32>
        %get3A_527 = arith.index_cast %add3A_521 : i32 to index
        %get3A_528 = arith.constant 16 : index
        %get3A_529 = tpu.vector_load %arg10[%get3A_527, %get3A_528] {strides = array<i32>} : memref<800x64xf32, #tpu.memory_space<vmem>>, vector<1x16xf32>,
        %get3A_530 = vector.shape_cast %get3A_529 : vector<1x16xf32> to vector<16xf32>
        %mul3A_531 = arith.mulf %get3A_530, %get3A_283 : vector<16xf32>
        %add3A_532 = arith.addf %mul3A_526, %mul3A_531 : vector<16xf32>
        %get3A_533 = arith.index_cast %add3A_521 : i32 to index
        %get3A_534 = arith.constant 32 : index
        %get3A_535 = tpu.vector_load %arg10[%get3A_533, %get3A_534] {strides = array<i32>} : memref<800x64xf32, #tpu.memory_space<vmem>>, vector<1x16xf32>,
        %get3A_536 = vector.shape_cast %get3A_535 : vector<1x16xf32> to vector<16xf32>
        %mul3A_537 = arith.mulf %get3A_536, %get3A_287 : vector<16xf32>
        %get3A_538 = arith.index_cast %add3A_521 : i32 to index
        %get3A_539 = arith.constant 48 : index
        %get3A_540 = tpu.vector_load %arg10[%get3A_538, %get3A_539] {strides = array<i32>} : memref<800x64xf32, #tpu.memory_space<vmem>>, vector<1x16xf32>,
        %get3A_541 = vector.shape_cast %get3A_540 : vector<1x16xf32> to vector<16xf32>
        %mul3A_542 = arith.mulf %get3A_541, %get3A_291 : vector<16xf32>
        %add3A_543 = arith.addf %mul3A_537, %mul3A_542 : vector<16xf32>
        %add3A_544 = arith.addf %add3A_532, %add3A_543 : vector<16xf32>
        %add3A_545 = arith.constant 5 : i32
        %add3A_546 = arith.addi %add3A_294, %add3A_545 : i32
        %get3A_547 = arith.index_cast %add3A_546 : i32 to index
        %get3A_548 = arith.constant 0 : index
        %get3A_549 = tpu.vector_load %arg10[%get3A_547, %get3A_548] {strides = array<i32>} : memref<800x64xf32, #tpu.memory_space<vmem>>, vector<1x16xf32>,
        %get3A_550 = vector.shape_cast %get3A_549 : vector<1x16xf32> to vector<16xf32>
        %mul3A_551 = arith.mulf %get3A_550, %get3A_279 : vector<16xf32>
        %get3A_552 = arith.index_cast %add3A_546 : i32 to index
        %get3A_553 = arith.constant 16 : index
        %get3A_554 = tpu.vector_load %arg10[%get3A_552, %get3A_553] {strides = array<i32>} : memref<800x64xf32, #tpu.memory_space<vmem>>, vector<1x16xf32>,
        %get3A_555 = vector.shape_cast %get3A_554 : vector<1x16xf32> to vector<16xf32>
        %mul3A_556 = arith.mulf %get3A_555, %get3A_283 : vector<16xf32>
        %add3A_557 = arith.addf %mul3A_551, %mul3A_556 : vector<16xf32>
        %get3A_558 = arith.index_cast %add3A_546 : i32 to index
        %get3A_559 = arith.constant 32 : index
        %get3A_560 = tpu.vector_load %arg10[%get3A_558, %get3A_559] {strides = array<i32>} : memref<800x64xf32, #tpu.memory_space<vmem>>, vector<1x16xf32>,
        %get3A_561 = vector.shape_cast %get3A_560 : vector<1x16xf32> to vector<16xf32>
        %mul3A_562 = arith.mulf %get3A_561, %get3A_287 : vector<16xf32>
        %get3A_563 = arith.index_cast %add3A_546 : i32 to index
        %get3A_564 = arith.constant 48 : index
        %get3A_565 = tpu.vector_load %arg10[%get3A_563, %get3A_564] {strides = array<i32>} : memref<800x64xf32, #tpu.memory_space<vmem>>, vector<1x16xf32>,
        %get3A_566 = vector.shape_cast %get3A_565 : vector<1x16xf32> to vector<16xf32>
        %mul3A_567 = arith.mulf %get3A_566, %get3A_291 : vector<16xf32>
        %add3A_568 = arith.addf %mul3A_562, %mul3A_567 : vector<16xf32>
        %add3A_569 = arith.addf %add3A_557, %add3A_568 : vector<16xf32>
        %add3A_570 = arith.constant 13 : i32
        %add3A_571 = arith.addi %add3A_294, %add3A_570 : i32
        %get3A_572 = arith.index_cast %add3A_571 : i32 to index
        %get3A_573 = arith.constant 0 : index
        %get3A_574 = tpu.vector_load %arg10[%get3A_572, %get3A_573] {strides = array<i32>} : memref<800x64xf32, #tpu.memory_space<vmem>>, vector<1x16xf32>,
        %get3A_575 = vector.shape_cast %get3A_574 : vector<1x16xf32> to vector<16xf32>
        %mul3A_576 = arith.mulf %get3A_575, %get3A_279 : vector<16xf32>
        %get3A_577 = arith.index_cast %add3A_571 : i32 to index
        %get3A_578 = arith.constant 16 : index
        %get3A_579 = tpu.vector_load %arg10[%get3A_577, %get3A_578] {strides = array<i32>} : memref<800x64xf32, #tpu.memory_space<vmem>>, vector<1x16xf32>,
        %get3A_580 = vector.shape_cast %get3A_579 : vector<1x16xf32> to vector<16xf32>
        %mul3A_581 = arith.mulf %get3A_580, %get3A_283 : vector<16xf32>
        %add3A_582 = arith.addf %mul3A_576, %mul3A_581 : vector<16xf32>
        %get3A_583 = arith.index_cast %add3A_571 : i32 to index
        %get3A_584 = arith.constant 32 : index
        %get3A_585 = tpu.vector_load %arg10[%get3A_583, %get3A_584] {strides = array<i32>} : memref<800x64xf32, #tpu.memory_space<vmem>>, vector<1x16xf32>,
        %get3A_586 = vector.shape_cast %get3A_585 : vector<1x16xf32> to vector<16xf32>
        %mul3A_587 = arith.mulf %get3A_586, %get3A_287 : vector<16xf32>
        %get3A_588 = arith.index_cast %add3A_571 : i32 to index
        %get3A_589 = arith.constant 48 : index
        %get3A_590 = tpu.vector_load %arg10[%get3A_588, %get3A_589] {strides = array<i32>} : memref<800x64xf32, #tpu.memory_space<vmem>>, vector<1x16xf32>,
        %get3A_591 = vector.shape_cast %get3A_590 : vector<1x16xf32> to vector<16xf32>
        %mul3A_592 = arith.mulf %get3A_591, %get3A_291 : vector<16xf32>
        %add3A_593 = arith.addf %mul3A_587, %mul3A_592 : vector<16xf32>
        %add3A_594 = arith.addf %add3A_582, %add3A_593 : vector<16xf32>
        %add3A_595 = arith.constant 3 : i32
        %add3A_596 = arith.addi %add3A_294, %add3A_595 : i32
        %get3A_597 = arith.index_cast %add3A_596 : i32 to index
        %get3A_598 = arith.constant 0 : index
        %get3A_599 = tpu.vector_load %arg10[%get3A_597, %get3A_598] {strides = array<i32>} : memref<800x64xf32, #tpu.memory_space<vmem>>, vector<1x16xf32>,
        %get3A_600 = vector.shape_cast %get3A_599 : vector<1x16xf32> to vector<16xf32>
        %mul3A_601 = arith.mulf %get3A_600, %get3A_279 : vector<16xf32>
        %get3A_602 = arith.index_cast %add3A_596 : i32 to index
        %get3A_603 = arith.constant 16 : index
        %get3A_604 = tpu.vector_load %arg10[%get3A_602, %get3A_603] {strides = array<i32>} : memref<800x64xf32, #tpu.memory_space<vmem>>, vector<1x16xf32>,
        %get3A_605 = vector.shape_cast %get3A_604 : vector<1x16xf32> to vector<16xf32>
        %mul3A_606 = arith.mulf %get3A_605, %get3A_283 : vector<16xf32>
        %add3A_607 = arith.addf %mul3A_601, %mul3A_606 : vector<16xf32>
        %get3A_608 = arith.index_cast %add3A_596 : i32 to index
        %get3A_609 = arith.constant 32 : index
        %get3A_610 = tpu.vector_load %arg10[%get3A_608, %get3A_609] {strides = array<i32>} : memref<800x64xf32, #tpu.memory_space<vmem>>, vector<1x16xf32>,
        %get3A_611 = vector.shape_cast %get3A_610 : vector<1x16xf32> to vector<16xf32>
        %mul3A_612 = arith.mulf %get3A_611, %get3A_287 : vector<16xf32>
        %get3A_613 = arith.index_cast %add3A_596 : i32 to index
        %get3A_614 = arith.constant 48 : index
        %get3A_615 = tpu.vector_load %arg10[%get3A_613, %get3A_614] {strides = array<i32>} : memref<800x64xf32, #tpu.memory_space<vmem>>, vector<1x16xf32>,
        %get3A_616 = vector.shape_cast %get3A_615 : vector<1x16xf32> to vector<16xf32>
        %mul3A_617 = arith.mulf %get3A_616, %get3A_291 : vector<16xf32>
        %add3A_618 = arith.addf %mul3A_612, %mul3A_617 : vector<16xf32>
        %add3A_619 = arith.addf %add3A_607, %add3A_618 : vector<16xf32>
        %add3A_620 = arith.constant 11 : i32
        %add3A_621 = arith.addi %add3A_294, %add3A_620 : i32
        %get3A_622 = arith.index_cast %add3A_621 : i32 to index
        %get3A_623 = arith.constant 0 : index
        %get3A_624 = tpu.vector_load %arg10[%get3A_622, %get3A_623] {strides = array<i32>} : memref<800x64xf32, #tpu.memory_space<vmem>>, vector<1x16xf32>,
        %get3A_625 = vector.shape_cast %get3A_624 : vector<1x16xf32> to vector<16xf32>
        %mul3A_626 = arith.mulf %get3A_625, %get3A_279 : vector<16xf32>
        %get3A_627 = arith.index_cast %add3A_621 : i32 to index
        %get3A_628 = arith.constant 16 : index
        %get3A_629 = tpu.vector_load %arg10[%get3A_627, %get3A_628] {strides = array<i32>} : memref<800x64xf32, #tpu.memory_space<vmem>>, vector<1x16xf32>,
        %get3A_630 = vector.shape_cast %get3A_629 : vector<1x16xf32> to vector<16xf32>
        %mul3A_631 = arith.mulf %get3A_630, %get3A_283 : vector<16xf32>
        %add3A_632 = arith.addf %mul3A_626, %mul3A_631 : vector<16xf32>
        %get3A_633 = arith.index_cast %add3A_621 : i32 to index
        %get3A_634 = arith.constant 32 : index
        %get3A_635 = tpu.vector_load %arg10[%get3A_633, %get3A_634] {strides = array<i32>} : memref<800x64xf32, #tpu.memory_space<vmem>>, vector<1x16xf32>,
        %get3A_636 = vector.shape_cast %get3A_635 : vector<1x16xf32> to vector<16xf32>
        %mul3A_637 = arith.mulf %get3A_636, %get3A_287 : vector<16xf32>
        %get3A_638 = arith.index_cast %add3A_621 : i32 to index
        %get3A_639 = arith.constant 48 : index
        %get3A_640 = tpu.vector_load %arg10[%get3A_638, %get3A_639] {strides = array<i32>} : memref<800x64xf32, #tpu.memory_space<vmem>>, vector<1x16xf32>,
        %get3A_641 = vector.shape_cast %get3A_640 : vector<1x16xf32> to vector<16xf32>
        %mul3A_642 = arith.mulf %get3A_641, %get3A_291 : vector<16xf32>
        %add3A_643 = arith.addf %mul3A_637, %mul3A_642 : vector<16xf32>
        %add3A_644 = arith.addf %add3A_632, %add3A_643 : vector<16xf32>
        %add3A_645 = arith.constant 7 : i32
        %add3A_646 = arith.addi %add3A_294, %add3A_645 : i32
        %get3A_647 = arith.index_cast %add3A_646 : i32 to index
        %get3A_648 = arith.constant 0 : index
        %get3A_649 = tpu.vector_load %arg10[%get3A_647, %get3A_648] {strides = array<i32>} : memref<800x64xf32, #tpu.memory_space<vmem>>, vector<1x16xf32>,
        %get3A_650 = vector.shape_cast %get3A_649 : vector<1x16xf32> to vector<16xf32>
        %mul3A_651 = arith.mulf %get3A_650, %get3A_279 : vector<16xf32>
        %get3A_652 = arith.index_cast %add3A_646 : i32 to index
        %get3A_653 = arith.constant 16 : index
        %get3A_654 = tpu.vector_load %arg10[%get3A_652, %get3A_653] {strides = array<i32>} : memref<800x64xf32, #tpu.memory_space<vmem>>, vector<1x16xf32>,
        %get3A_655 = vector.shape_cast %get3A_654 : vector<1x16xf32> to vector<16xf32>
        %mul3A_656 = arith.mulf %get3A_655, %get3A_283 : vector<16xf32>
        %add3A_657 = arith.addf %mul3A_651, %mul3A_656 : vector<16xf32>
        %get3A_658 = arith.index_cast %add3A_646 : i32 to index
        %get3A_659 = arith.constant 32 : index
        %get3A_660 = tpu.vector_load %arg10[%get3A_658, %get3A_659] {strides = array<i32>} : memref<800x64xf32, #tpu.memory_space<vmem>>, vector<1x16xf32>,
        %get3A_661 = vector.shape_cast %get3A_660 : vector<1x16xf32> to vector<16xf32>
        %mul3A_662 = arith.mulf %get3A_661, %get3A_287 : vector<16xf32>
        %get3A_663 = arith.index_cast %add3A_646 : i32 to index
        %get3A_664 = arith.constant 48 : index
        %get3A_665 = tpu.vector_load %arg10[%get3A_663, %get3A_664] {strides = array<i32>} : memref<800x64xf32, #tpu.memory_space<vmem>>, vector<1x16xf32>,
        %get3A_666 = vector.shape_cast %get3A_665 : vector<1x16xf32> to vector<16xf32>
        %mul3A_667 = arith.mulf %get3A_666, %get3A_291 : vector<16xf32>
        %add3A_668 = arith.addf %mul3A_662, %mul3A_667 : vector<16xf32>
        %add3A_669 = arith.addf %add3A_657, %add3A_668 : vector<16xf32>
        %add3A_670 = arith.constant 15 : i32
        %add3A_671 = arith.addi %add3A_294, %add3A_670 : i32
        %get3A_672 = arith.index_cast %add3A_671 : i32 to index
        %get3A_673 = arith.constant 0 : index
        %get3A_674 = tpu.vector_load %arg10[%get3A_672, %get3A_673] {strides = array<i32>} : memref<800x64xf32, #tpu.memory_space<vmem>>, vector<1x16xf32>,
        %get3A_675 = vector.shape_cast %get3A_674 : vector<1x16xf32> to vector<16xf32>
        %mul3A_676 = arith.mulf %get3A_675, %get3A_279 : vector<16xf32>
        %get3A_677 = arith.index_cast %add3A_671 : i32 to index
        %get3A_678 = arith.constant 16 : index
        %get3A_679 = tpu.vector_load %arg10[%get3A_677, %get3A_678] {strides = array<i32>} : memref<800x64xf32, #tpu.memory_space<vmem>>, vector<1x16xf32>,
        %get3A_680 = vector.shape_cast %get3A_679 : vector<1x16xf32> to vector<16xf32>
        %mul3A_681 = arith.mulf %get3A_680, %get3A_283 : vector<16xf32>
        %add3A_682 = arith.addf %mul3A_676, %mul3A_681 : vector<16xf32>
        %get3A_683 = arith.index_cast %add3A_671 : i32 to index
        %get3A_684 = arith.constant 32 : index
        %get3A_685 = tpu.vector_load %arg10[%get3A_683, %get3A_684] {strides = array<i32>} : memref<800x64xf32, #tpu.memory_space<vmem>>, vector<1x16xf32>,
        %get3A_686 = vector.shape_cast %get3A_685 : vector<1x16xf32> to vector<16xf32>
        %mul3A_687 = arith.mulf %get3A_686, %get3A_287 : vector<16xf32>
        %get3A_688 = arith.index_cast %add3A_671 : i32 to index
        %get3A_689 = arith.constant 48 : index
        %get3A_690 = tpu.vector_load %arg10[%get3A_688, %get3A_689] {strides = array<i32>} : memref<800x64xf32, #tpu.memory_space<vmem>>, vector<1x16xf32>,
        %get3A_691 = vector.shape_cast %get3A_690 : vector<1x16xf32> to vector<16xf32>
        %mul3A_692 = arith.mulf %get3A_691, %get3A_291 : vector<16xf32>
        %add3A_693 = arith.addf %mul3A_687, %mul3A_692 : vector<16xf32>
        %add3A_694 = arith.addf %add3A_682, %add3A_693 : vector<16xf32>
        %reshape3A = vector.shape_cast %xor3A_2 : vector<16xi32> to vector<16x1xi32>
        %gather3A = vector.shape_cast %reshape3A : vector<16x1xi32> to vector<16xi32>
        %gather3A_695 = tpu.dynamic_gather %add3A_319[%gather3A] in [0] : vector<16xf32>, vector<16xi32> -> vector<16xf32>
        %add3A_696 = arith.addf %add3A_319, %gather3A_695 : vector<16xf32>
        %reshape3A_697 = vector.shape_cast %xor3A_2 : vector<16xi32> to vector<16x1xi32>
        %gather3A_698 = vector.shape_cast %reshape3A_697 : vector<16x1xi32> to vector<16xi32>
        %gather3A_699 = tpu.dynamic_gather %add3A_344[%gather3A_698] in [0] : vector<16xf32>, vector<16xi32> -> vector<16xf32>
        %add3A_700 = arith.addf %add3A_344, %gather3A_699 : vector<16xf32>
        %select_n3A_701 = arith.select %eq3A_15, %add3A_696, %add3A_700 : vector<16xi1>, vector<16xf32>
        %reshape3A_702 = vector.shape_cast %xor3A_2 : vector<16xi32> to vector<16x1xi32>
        %gather3A_703 = vector.shape_cast %reshape3A_702 : vector<16x1xi32> to vector<16xi32>
        %gather3A_704 = tpu.dynamic_gather %add3A_369[%gather3A_703] in [0] : vector<16xf32>, vector<16xi32> -> vector<16xf32>
        %add3A_705 = arith.addf %add3A_369, %gather3A_704 : vector<16xf32>
        %reshape3A_706 = vector.shape_cast %xor3A_2 : vector<16xi32> to vector<16x1xi32>
        %gather3A_707 = vector.shape_cast %reshape3A_706 : vector<16x1xi32> to vector<16xi32>
        %gather3A_708 = tpu.dynamic_gather %add3A_394[%gather3A_707] in [0] : vector<16xf32>, vector<16xi32> -> vector<16xf32>
        %add3A_709 = arith.addf %add3A_394, %gather3A_708 : vector<16xf32>
        %select_n3A_710 = arith.select %eq3A_15, %add3A_705, %add3A_709 : vector<16xi1>, vector<16xf32>
        %reshape3A_711 = vector.shape_cast %xor3A_2 : vector<16xi32> to vector<16x1xi32>
        %gather3A_712 = vector.shape_cast %reshape3A_711 : vector<16x1xi32> to vector<16xi32>
        %gather3A_713 = tpu.dynamic_gather %add3A_419[%gather3A_712] in [0] : vector<16xf32>, vector<16xi32> -> vector<16xf32>
        %add3A_714 = arith.addf %add3A_419, %gather3A_713 : vector<16xf32>
        %reshape3A_715 = vector.shape_cast %xor3A_2 : vector<16xi32> to vector<16x1xi32>
        %gather3A_716 = vector.shape_cast %reshape3A_715 : vector<16x1xi32> to vector<16xi32>
        %gather3A_717 = tpu.dynamic_gather %add3A_444[%gather3A_716] in [0] : vector<16xf32>, vector<16xi32> -> vector<16xf32>
        %add3A_718 = arith.addf %add3A_444, %gather3A_717 : vector<16xf32>
        %select_n3A_719 = arith.select %eq3A_15, %add3A_714, %add3A_718 : vector<16xi1>, vector<16xf32>
        %reshape3A_720 = vector.shape_cast %xor3A_2 : vector<16xi32> to vector<16x1xi32>
        %gather3A_721 = vector.shape_cast %reshape3A_720 : vector<16x1xi32> to vector<16xi32>
        %gather3A_722 = tpu.dynamic_gather %add3A_469[%gather3A_721] in [0] : vector<16xf32>, vector<16xi32> -> vector<16xf32>
        %add3A_723 = arith.addf %add3A_469, %gather3A_722 : vector<16xf32>
        %reshape3A_724 = vector.shape_cast %xor3A_2 : vector<16xi32> to vector<16x1xi32>
        %gather3A_725 = vector.shape_cast %reshape3A_724 : vector<16x1xi32> to vector<16xi32>
        %gather3A_726 = tpu.dynamic_gather %add3A_494[%gather3A_725] in [0] : vector<16xf32>, vector<16xi32> -> vector<16xf32>
        %add3A_727 = arith.addf %add3A_494, %gather3A_726 : vector<16xf32>
        %select_n3A_728 = arith.select %eq3A_15, %add3A_723, %add3A_727 : vector<16xi1>, vector<16xf32>
        %reshape3A_729 = vector.shape_cast %xor3A_2 : vector<16xi32> to vector<16x1xi32>
        %gather3A_730 = vector.shape_cast %reshape3A_729 : vector<16x1xi32> to vector<16xi32>
        %gather3A_731 = tpu.dynamic_gather %add3A_519[%gather3A_730] in [0] : vector<16xf32>, vector<16xi32> -> vector<16xf32>
        %add3A_732 = arith.addf %add3A_519, %gather3A_731 : vector<16xf32>
        %reshape3A_733 = vector.shape_cast %xor3A_2 : vector<16xi32> to vector<16x1xi32>
        %gather3A_734 = vector.shape_cast %reshape3A_733 : vector<16x1xi32> to vector<16xi32>
        %gather3A_735 = tpu.dynamic_gather %add3A_544[%gather3A_734] in [0] : vector<16xf32>, vector<16xi32> -> vector<16xf32>
        %add3A_736 = arith.addf %add3A_544, %gather3A_735 : vector<16xf32>
        %select_n3A_737 = arith.select %eq3A_15, %add3A_732, %add3A_736 : vector<16xi1>, vector<16xf32>
        %reshape3A_738 = vector.shape_cast %xor3A_2 : vector<16xi32> to vector<16x1xi32>
        %gather3A_739 = vector.shape_cast %reshape3A_738 : vector<16x1xi32> to vector<16xi32>
        %gather3A_740 = tpu.dynamic_gather %add3A_569[%gather3A_739] in [0] : vector<16xf32>, vector<16xi32> -> vector<16xf32>
        %add3A_741 = arith.addf %add3A_569, %gather3A_740 : vector<16xf32>
        %reshape3A_742 = vector.shape_cast %xor3A_2 : vector<16xi32> to vector<16x1xi32>
        %gather3A_743 = vector.shape_cast %reshape3A_742 : vector<16x1xi32> to vector<16xi32>
        %gather3A_744 = tpu.dynamic_gather %add3A_594[%gather3A_743] in [0] : vector<16xf32>, vector<16xi32> -> vector<16xf32>
        %add3A_745 = arith.addf %add3A_594, %gather3A_744 : vector<16xf32>
        %select_n3A_746 = arith.select %eq3A_15, %add3A_741, %add3A_745 : vector<16xi1>, vector<16xf32>
        %reshape3A_747 = vector.shape_cast %xor3A_2 : vector<16xi32> to vector<16x1xi32>
        %gather3A_748 = vector.shape_cast %reshape3A_747 : vector<16x1xi32> to vector<16xi32>
        %gather3A_749 = tpu.dynamic_gather %add3A_619[%gather3A_748] in [0] : vector<16xf32>, vector<16xi32> -> vector<16xf32>
        %add3A_750 = arith.addf %add3A_619, %gather3A_749 : vector<16xf32>
        %reshape3A_751 = vector.shape_cast %xor3A_2 : vector<16xi32> to vector<16x1xi32>
        %gather3A_752 = vector.shape_cast %reshape3A_751 : vector<16x1xi32> to vector<16xi32>
        %gather3A_753 = tpu.dynamic_gather %add3A_644[%gather3A_752] in [0] : vector<16xf32>, vector<16xi32> -> vector<16xf32>
        %add3A_754 = arith.addf %add3A_644, %gather3A_753 : vector<16xf32>
        %select_n3A_755 = arith.select %eq3A_15, %add3A_750, %add3A_754 : vector<16xi1>, vector<16xf32>
        %reshape3A_756 = vector.shape_cast %xor3A_2 : vector<16xi32> to vector<16x1xi32>
        %gather3A_757 = vector.shape_cast %reshape3A_756 : vector<16x1xi32> to vector<16xi32>
        %gather3A_758 = tpu.dynamic_gather %add3A_669[%gather3A_757] in [0] : vector<16xf32>, vector<16xi32> -> vector<16xf32>
        %add3A_759 = arith.addf %add3A_669, %gather3A_758 : vector<16xf32>
        %reshape3A_760 = vector.shape_cast %xor3A_2 : vector<16xi32> to vector<16x1xi32>
        %gather3A_761 = vector.shape_cast %reshape3A_760 : vector<16x1xi32> to vector<16xi32>
        %gather3A_762 = tpu.dynamic_gather %add3A_694[%gather3A_761] in [0] : vector<16xf32>, vector<16xi32> -> vector<16xf32>
        %add3A_763 = arith.addf %add3A_694, %gather3A_762 : vector<16xf32>
        %select_n3A_764 = arith.select %eq3A_15, %add3A_759, %add3A_763 : vector<16xi1>, vector<16xf32>
        %reshape3A_765 = vector.shape_cast %xor3A_5 : vector<16xi32> to vector<16x1xi32>
        %gather3A_766 = vector.shape_cast %reshape3A_765 : vector<16x1xi32> to vector<16xi32>
        %gather3A_767 = tpu.dynamic_gather %select_n3A_701[%gather3A_766] in [0] : vector<16xf32>, vector<16xi32> -> vector<16xf32>
        %add3A_768 = arith.addf %select_n3A_701, %gather3A_767 : vector<16xf32>
        %reshape3A_769 = vector.shape_cast %xor3A_5 : vector<16xi32> to vector<16x1xi32>
        %gather3A_770 = vector.shape_cast %reshape3A_769 : vector<16x1xi32> to vector<16xi32>
        %gather3A_771 = tpu.dynamic_gather %select_n3A_710[%gather3A_770] in [0] : vector<16xf32>, vector<16xi32> -> vector<16xf32>
        %add3A_772 = arith.addf %select_n3A_710, %gather3A_771 : vector<16xf32>
        %select_n3A_773 = arith.select %eq3A_21, %add3A_768, %add3A_772 : vector<16xi1>, vector<16xf32>
        %reshape3A_774 = vector.shape_cast %xor3A_5 : vector<16xi32> to vector<16x1xi32>
        %gather3A_775 = vector.shape_cast %reshape3A_774 : vector<16x1xi32> to vector<16xi32>
        %gather3A_776 = tpu.dynamic_gather %select_n3A_719[%gather3A_775] in [0] : vector<16xf32>, vector<16xi32> -> vector<16xf32>
        %add3A_777 = arith.addf %select_n3A_719, %gather3A_776 : vector<16xf32>
        %reshape3A_778 = vector.shape_cast %xor3A_5 : vector<16xi32> to vector<16x1xi32>
        %gather3A_779 = vector.shape_cast %reshape3A_778 : vector<16x1xi32> to vector<16xi32>
        %gather3A_780 = tpu.dynamic_gather %select_n3A_728[%gather3A_779] in [0] : vector<16xf32>, vector<16xi32> -> vector<16xf32>
        %add3A_781 = arith.addf %select_n3A_728, %gather3A_780 : vector<16xf32>
        %select_n3A_782 = arith.select %eq3A_21, %add3A_777, %add3A_781 : vector<16xi1>, vector<16xf32>
        %reshape3A_783 = vector.shape_cast %xor3A_5 : vector<16xi32> to vector<16x1xi32>
        %gather3A_784 = vector.shape_cast %reshape3A_783 : vector<16x1xi32> to vector<16xi32>
        %gather3A_785 = tpu.dynamic_gather %select_n3A_737[%gather3A_784] in [0] : vector<16xf32>, vector<16xi32> -> vector<16xf32>
        %add3A_786 = arith.addf %select_n3A_737, %gather3A_785 : vector<16xf32>
        %reshape3A_787 = vector.shape_cast %xor3A_5 : vector<16xi32> to vector<16x1xi32>
        %gather3A_788 = vector.shape_cast %reshape3A_787 : vector<16x1xi32> to vector<16xi32>
        %gather3A_789 = tpu.dynamic_gather %select_n3A_746[%gather3A_788] in [0] : vector<16xf32>, vector<16xi32> -> vector<16xf32>
        %add3A_790 = arith.addf %select_n3A_746, %gather3A_789 : vector<16xf32>
        %select_n3A_791 = arith.select %eq3A_21, %add3A_786, %add3A_790 : vector<16xi1>, vector<16xf32>
        %reshape3A_792 = vector.shape_cast %xor3A_5 : vector<16xi32> to vector<16x1xi32>
        %gather3A_793 = vector.shape_cast %reshape3A_792 : vector<16x1xi32> to vector<16xi32>
        %gather3A_794 = tpu.dynamic_gather %select_n3A_755[%gather3A_793] in [0] : vector<16xf32>, vector<16xi32> -> vector<16xf32>
        %add3A_795 = arith.addf %select_n3A_755, %gather3A_794 : vector<16xf32>
        %reshape3A_796 = vector.shape_cast %xor3A_5 : vector<16xi32> to vector<16x1xi32>
        %gather3A_797 = vector.shape_cast %reshape3A_796 : vector<16x1xi32> to vector<16xi32>
        %gather3A_798 = tpu.dynamic_gather %select_n3A_764[%gather3A_797] in [0] : vector<16xf32>, vector<16xi32> -> vector<16xf32>
        %add3A_799 = arith.addf %select_n3A_764, %gather3A_798 : vector<16xf32>
        %select_n3A_800 = arith.select %eq3A_21, %add3A_795, %add3A_799 : vector<16xi1>, vector<16xf32>
        %reshape3A_801 = vector.shape_cast %xor3A_8 : vector<16xi32> to vector<16x1xi32>
        %gather3A_802 = vector.shape_cast %reshape3A_801 : vector<16x1xi32> to vector<16xi32>
        %gather3A_803 = tpu.dynamic_gather %select_n3A_773[%gather3A_802] in [0] : vector<16xf32>, vector<16xi32> -> vector<16xf32>
        %add3A_804 = arith.addf %select_n3A_773, %gather3A_803 : vector<16xf32>
        %reshape3A_805 = vector.shape_cast %xor3A_8 : vector<16xi32> to vector<16x1xi32>
        %gather3A_806 = vector.shape_cast %reshape3A_805 : vector<16x1xi32> to vector<16xi32>
        %gather3A_807 = tpu.dynamic_gather %select_n3A_782[%gather3A_806] in [0] : vector<16xf32>, vector<16xi32> -> vector<16xf32>
        %add3A_808 = arith.addf %select_n3A_782, %gather3A_807 : vector<16xf32>
        %select_n3A_809 = arith.select %eq3A_27, %add3A_804, %add3A_808 : vector<16xi1>, vector<16xf32>
        %reshape3A_810 = vector.shape_cast %xor3A_8 : vector<16xi32> to vector<16x1xi32>
        %gather3A_811 = vector.shape_cast %reshape3A_810 : vector<16x1xi32> to vector<16xi32>
        %gather3A_812 = tpu.dynamic_gather %select_n3A_791[%gather3A_811] in [0] : vector<16xf32>, vector<16xi32> -> vector<16xf32>
        %add3A_813 = arith.addf %select_n3A_791, %gather3A_812 : vector<16xf32>
        %reshape3A_814 = vector.shape_cast %xor3A_8 : vector<16xi32> to vector<16x1xi32>
        %gather3A_815 = vector.shape_cast %reshape3A_814 : vector<16x1xi32> to vector<16xi32>
        %gather3A_816 = tpu.dynamic_gather %select_n3A_800[%gather3A_815] in [0] : vector<16xf32>, vector<16xi32> -> vector<16xf32>
        %add3A_817 = arith.addf %select_n3A_800, %gather3A_816 : vector<16xf32>
        %select_n3A_818 = arith.select %eq3A_27, %add3A_813, %add3A_817 : vector<16xi1>, vector<16xf32>
        %reshape3A_819 = vector.shape_cast %xor3A_11 : vector<16xi32> to vector<16x1xi32>
        %gather3A_820 = vector.shape_cast %reshape3A_819 : vector<16x1xi32> to vector<16xi32>
        %gather3A_821 = tpu.dynamic_gather %select_n3A_809[%gather3A_820] in [0] : vector<16xf32>, vector<16xi32> -> vector<16xf32>
        %add3A_822 = arith.addf %select_n3A_809, %gather3A_821 : vector<16xf32>
        %reshape3A_823 = vector.shape_cast %xor3A_11 : vector<16xi32> to vector<16x1xi32>
        %gather3A_824 = vector.shape_cast %reshape3A_823 : vector<16x1xi32> to vector<16xi32>
        %gather3A_825 = tpu.dynamic_gather %select_n3A_818[%gather3A_824] in [0] : vector<16xf32>, vector<16xi32> -> vector<16xf32>
        %add3A_826 = arith.addf %select_n3A_818, %gather3A_825 : vector<16xf32>
        %select_n3A_827 = arith.select %eq3A_33, %add3A_822, %add3A_826 : vector<16xi1>, vector<16xf32>
        %swap3A = arith.index_cast %add3A_294 : i32 to index
        %swap3A_828 = tpu.vector_load %arg11[%swap3A] {strides = array<i32>} : memref<800xf32, #tpu.memory_space<vmem>>, vector<16xf32>,
        %swap3A_829 = vector.shape_cast %swap3A_828 : vector<16xf32> to vector<16xf32>
        %swap3A_830 = vector.shape_cast %select_n3A_827 : vector<16xf32> to vector<16xf32>
        tpu.vector_store %arg11[%swap3A], %swap3A_830 {strides = array<i32>} : memref<800xf32, #tpu.memory_space<vmem>>, vector<16xf32>,
      }
      %scan3A_233 = arith.constant 64 : i32
      "tpu.region"() ({
        %run_scoped3A = tpu.sem_alloc : memref<!tpu.dma_semaphore, #tpu.memory_space<semaphore_mem>>
        %dma_start3A_234 = tpu.memref_slice %arg6[%multiple_of3A_46] : memref<1024000xf32, #tpu.memory_space<hbm>> -> memref<800xf32, #tpu.memory_space<hbm>>
        %dma_start3A_235 = tpu.memref_slice %arg6[%multiple_of3A_46] : memref<1024000xf32, #tpu.memory_space<hbm>> -> memref<800xf32, #tpu.memory_space<hbm>>
        tpu.enqueue_dma source(%arg11 : memref<800xf32, #tpu.memory_space<vmem>>) target(%dma_start3A_235 : memref<800xf32, #tpu.memory_space<hbm>>) target_semaphore(%run_scoped3A : memref<!tpu.dma_semaphore, #tpu.memory_space<semaphore_mem>>)
        %dma_wait3A_236 = tpu.memref_slice %arg6[%multiple_of3A_46] : memref<1024000xf32, #tpu.memory_space<hbm>> -> memref<800xf32, #tpu.memory_space<hbm>>
        %dma_wait3A_237 = tpu.memref_slice %arg6[%multiple_of3A_46] : memref<1024000xf32, #tpu.memory_space<hbm>> -> memref<800xf32, #tpu.memory_space<hbm>>
        tpu.wait_dma2 semaphore(%run_scoped3A : memref<!tpu.dma_semaphore, #tpu.memory_space<semaphore_mem>>) src(%arg11 : memref<800xf32, #tpu.memory_space<vmem>>) dst(%dma_wait3A_237 : memref<800xf32, #tpu.memory_space<hbm>>)
        tpu.yield
      }) : () -> ()
    }
    %scan3A_37 = arith.constant 40 : i32
    return
  }
}

</mosaic_0001>

<sc_bundles>
// kernel: kernel.3.cloned.1.call-start
scs
__scs_entry_jumppad:
0x0: {  	(pc) =	sbr.rel $0x88, $3  }
0x1: {  	(tag) =	ssettag $0x0;
	lr =	simm.s32 $0x1  }
0x2: {  	[smem:$0x3F9E] =	sst lr;
	_ =	strace $0xD0000000  }
0x3: {  	_ = 	snop  }
0x4: {  	_ = 	snop  }
0x5: {  	_ = 	snop  }
0x6: {  	_ = 	snop  }
0x7: {  	_ = 	snop  }
__scs_overlays_trampoline_lowered:
0x8: {  	[smem:$0x3FAD] =	sst s0  }
0x9: {  	[smem:$0x3FAE] =	sst s1  }
0xa: {  	[smem:$0x3FAF] =	sst s2  }
0xb: {  	[smem:$0x3FB0] =	sst s3  }
0xc: {  	[smem:$0x3FB1] =	sst s4  }
0xd: {  	[smem:$0x3FB2] =	sst s5  }
0xe: {  	[smem:$0x3FB3] =	sst s6  }
0xf: {  	[smem:$0x3FB4] =	sst s7  }
0x10: {  	[smem:$0x3FB5] =	sst s8  }
0x11: {  	[smem:$0x3FB6] =	sst s9;
	s0 =	simm.s32 @!p0 $0x0  }
0x12: {  	s1 =	sld [smem:$0x3F9C];
	s0 =	simm.s32 @p0 $0x1  }
0x13: {  	[smem:$0x3FB7] =	sst s0;
	s0 =	simm.s32 @!p1 $0x0  }
0x14: {  	s2 =	sld [smem:$0x3F9B];
	s0 =	simm.s32 @p1 $0x1  }
0x15: {  	[smem:$0x3FB8] =	sst s0;
	s0 =	simm.s32 @!p2 $0x0  }
0x16: {  	s3 =	sld [smem:$0x3FDB];
	s0 =	simm.s32 @p2 $0x1  }
0x17: {  	s4 =	simm.s32 $0x1BF5;
	[smem:$0x3FBA] =	sst s0  }
0x18: {  	s0 =	sld [smem:$0x3F9D];
	_ =	swait.ge [sflag:s4], $0x0  }
0x19: {  	s7 =	sld [smem:$0x3F9E]  }
0x1a: {  	s8 =	sadd.s32 $0xFFFFE003, lr  }
0x1b: {  	s9 =	sadd.s32 $0xFFFFFEF7, lr;
	s5 =	simm.s32 $0xFFFFFFFF;
	p2 =	slt.u32 s8, $0xFFFFF086  }
0x1c: {  	p1 =	slt.u32 s9, $0xF7A;
	s5 =	simm.s32 @!p2 $0x0  }
0x1d: {  	s5 =	simm.s32 @p1 $0x1;
	p0 =	seq.s32 s7, s2  }
0x1e: {  	s7 =	smul.u32 @!p0 $0xF7A, s2;
	p2 =	seq.s32 @!p0 s5, $0x0  }
0x1f: {  	s9 =	smul.u32 $0xF7A, s1;
	s8 =	simm.s32 @!p0 $0x1BF5;
	p2 =	por !p2, p0  }
0x20: {  	[sflag:s8] =	ssyncset.s32 @!p0 $0xFFFFF086;
	s6 =	sadd.s32 @!p0 s3, s7;
	s7 =	simm.s32 @!p0 $0x108  }
0x21: {  	s3 =	sadd.s32 s3, s9;
	s6 =	sadd.s32 @!p0 $0x88, s6;
	s7 =	simm.s32 @p2 $0x1082  }
0x22: {  	[simem:s7], [sflag:s8] =	dma.local @!p0 [hbm:s6], $0xF7A  }
0x23: {  	s9 =	sor.u32 $0xD0000000, s2;
	s6 =	simm.s32 $0x108;
	_ =	swait.ge @!p0 [sflag:s8], $0x0  }
0x24: {  	s3 =	sadd.s32 $0x88, s3;
	s6 =	simm.s32 @!p1 $0x1082;
	[sflag:s4] =	ssyncset.s32 $0xFFFFF086  }
0x25: {  	[simem:s6], [sflag:s4] =	dma.local [hbm:s3], $0xF7A  }
0x26: {  	[smem:$0x3F9E] =	sst s1;
	(tag) =	ssettag s2;
	_ =	strace s9  }
0x27: {  	s1 =	sld [smem:$0x3FAE]  }
0x28: {  	s2 =	sld [smem:$0x3FAF]  }
0x29: {  	s4 =	sld [smem:$0x3FB1]  }
0x2a: {  	p0 =	seq.s32 s5, $0x0;
	s5 =	sld [smem:$0x3FB2]  }
0x2b: {  	s6 =	sld [smem:$0x3FB3]  }
0x2c: {  	s7 =	sld [smem:$0x3FB4]  }
0x2d: {  	s3 =	simm.s32 $0x108;
	s8 =	sld [smem:$0x3FB5]  }
0x2e: {  	s3 =	simm.s32 @!p0 $0x1082;
	s9 =	sld [smem:$0x3FB6]  }
0x2f: {  	lr =	sadd.s32 s0, s3;
	s0 =	sld [smem:$0x3FAD]  }
0x30: {  	s3 =	sld [smem:$0x3FB0]  }
0x31: {  	[smem:$0x3FB9] =	sst s10  }
0x32: {  	s10 =	sld [smem:$0x3FB7];
	_ =	sdelay $0x3  }
0x33: {  	p0 =	seq.s32 s10, $0x1;
	s10 =	sld [smem:$0x3FB9];
	_ =	sdelay $0x3  }
0x34: {  	[smem:$0x3FB9] =	sst s10  }
0x35: {  	s10 =	sld [smem:$0x3FB8];
	_ =	sdelay $0x3  }
0x36: {  	p1 =	seq.s32 s10, $0x1;
	s10 =	sld [smem:$0x3FB9];
	_ =	sdelay $0x3  }
0x37: {  	[smem:$0x3FB9] =	sst s10  }
0x38: {  	s10 =	sld [smem:$0x3FBA]  }
0x39: {  	_ = 	snop;
	(pc) =	sbr.ind lr, $3  }
0x3a: {  	_ = 	snop  }
0x3b: {  	_ = 	snop  }
0x3c: {  	p2 =	seq.s32 s10, $0x1;
	s10 =	sld [smem:$0x3FB9]  }
0x3d: {  	_ =	shalt  }
0x3e: {  	_ =	shalt  }
0x3f: {  	_ =	shalt  }
0x40: {  	_ =	shalt  }
0x41: {  	_ =	shalt  }
0x42: {  	_ =	shalt  }
0x43: {  	_ =	shalt  }
0x44: {  	_ =	shalt  }
0x45: {  	_ =	shalt  }
0x46: {  	_ =	shalt  }
0x47: {  	_ =	shalt  }
0x48: {  	_ =	shalt  }
0x49: {  	_ =	shalt  }
0x4a: {  	_ =	shalt  }
0x4b: {  	_ =	shalt  }
0x4c: {  	_ =	shalt  }
0x4d: {  	_ =	shalt  }
0x4e: {  	_ =	shalt  }
0x4f: {  	_ =	shalt  }
0x50: {  	_ =	shalt  }
0x51: {  	_ =	shalt  }
0x52: {  	_ =	shalt  }
0x53: {  	_ =	shalt  }
0x54: {  	_ =	shalt  }
0x55: {  	_ =	shalt  }
0x56: {  	_ =	shalt  }
0x57: {  	_ =	shalt  }
0x58: {  	_ =	shalt  }
0x59: {  	_ =	shalt  }
0x5a: {  	_ =	shalt  }
0x5b: {  	_ =	shalt  }
0x5c: {  	_ =	shalt  }
0x5d: {  	_ =	shalt  }
0x5e: {  	_ =	shalt  }
0x5f: {  	_ =	shalt  }
0x60: {  	_ =	shalt  }
0x61: {  	_ =	shalt  }
0x62: {  	_ =	shalt  }
0x63: {  	_ =	shalt  }
0x64: {  	_ =	shalt  }
0x65: {  	_ =	shalt  }
0x66: {  	_ =	shalt  }
0x67: {  	_ =	shalt  }
0x68: {  	_ =	shalt  }
0x69: {  	_ =	shalt  }
0x6a: {  	_ =	shalt  }
0x6b: {  	_ =	shalt  }
0x6c: {  	_ =	shalt  }
0x6d: {  	_ =	shalt  }
0x6e: {  	_ =	shalt  }
0x6f: {  	_ =	shalt  }
0x70: {  	_ =	shalt  }
0x71: {  	_ =	shalt  }
0x72: {  	_ =	shalt  }
0x73: {  	_ =	shalt  }
0x74: {  	_ =	shalt  }
0x75: {  	_ =	shalt  }
0x76: {  	_ =	shalt  }
0x77: {  	_ =	shalt  }
0x78: {  	_ =	shalt  }
0x79: {  	_ =	shalt  }
0x7a: {  	_ =	shalt  }
0x7b: {  	_ =	shalt  }
0x7c: {  	_ =	shalt  }
0x7d: {  	_ =	shalt  }
0x7e: {  	_ =	shalt  }
0x7f: {  	_ =	shalt  }
0x80: {  	_ =	shalt  }
0x81: {  	_ =	shalt  }
0x82: {  	_ =	shalt  }
0x83: {  	_ =	shalt  }
0x84: {  	_ =	shalt  }
0x85: {  	_ =	shalt  }
0x86: {  	_ =	shalt  }
0x87: {  	_ =	shalt  }
.Lfunc_end0:
.L_simem_size_0:
called_computation_lowered:
.L_overlay_start_0:
0x88: {  	s2 =	sld [smem:$0x3FD9]  }
0x89: {  	s3 =	sld [smem:$0x3FFE];
	_ =	sdelay $0x1  }
0x8a: {  	s1 =	srdreg.scid  }
0x8b: {  	s0 =	sand.u32 $0x1, s1  }
0x8c: {  	s17 =	sshll.u32 s0, $0xA;
	s2 =	sadd.s32 s3, s2  }
0x8d: {  	s2 =	sadd.s32 s2, s17  }
0x8e: {  	[smem:$0x3FC5] =	sst s2  }
0x8f: {  	_ = 	snop  }
0x90: {  	s2 =	sld [smem:$0x3FD0];
	(tm) =	ssettm $0x1  }
0x91: {  	s18 =	sld [smem:$0x3FFB];
	_ =	sdelay $0x3  }
0x92: {  	_ =	strace s18  }
0x93: {  	s3 =	sld [smem:$0x3FFC];
	_ =	sdelay $0x3  }
0x94: {  	_ =	strace s3  }
0x95: {  	s3 =	sld [smem:$0x3FFD];
	_ =	sdelay $0x3  }
0x96: {  	_ =	strace s3  }
0x97: {  	_ =	strace $0x8FFFFFFF  }
0x98: {  	s19 =	sld [smem:$0x3FDB];
	_ =	sdelay $0x1  }
0x99: {  	s4 =	simm.s32 $_scs_section_size  }
0x9a: {  	s5 =	simm.s32 $_size__tile_overlayer_lowered;
	s6 =	simm.s32 $_tile_overlayer_lowered  }
0x9b: {  	s22 =	simm.s32 $0x1BFF;
	s21 =	sshll.u32 s6, $0x1;
	s3 =	sadd.s32 s4, s19  }
0x9c: {  	s7 =	simm.s32 $0x0;
	s20 =	sshll.u32 s5, $0x1;
	s5 =	sadd.s32 s21, s3  }
0x9d: {  	[timem:s7], [sflag:s22] =	dma.local [hbm:s5], s20  }
0x9e: {  	_ =	swait.ge [sflag:s22], s20  }
0x9f: {  	s4 =	ssub.s32 $0x0, s20;
	[sflag:s22] =	ssyncset.done $0x0  }
0xa0: {  	[sflag:s22] =	ssyncadd.s32 s4;
	_ =	sdelay $0x1  }
0xa1: {  	s23 =	simm.s32 $0x1B8B  }
0xa2: {  	_ =	swait.ge [sflag:s23], $0x1  }
0xa3: {  	[sflag:s23] =	ssyncset.done $0x0  }
0xa4: {  	s25 =	simm.s32 $0x1B8E;
	s24 =	sld [smem:$0x3FFE];
	[sflag:s23] =	ssyncadd.s32 $0xFFFFFFFF  }
0xa5: {  	s26 =	simm.s32 $execute0_lowered;
	[smem:$0x3FD2] =	sst s25  }
0xa6: {  	s5 =	sshll.u32 s26, $0x1;
	_ =	strace $0x80000046;
	[dreg:$0x1] =	wrdreg $0xFFFFFFFF  }
0xa7: {  	s28 =	simm.s32 $_size_execute0_lowered;
	s3 =	sadd.s32 s3, s5;
	[dreg:$0x0] =	wrdreg $0x0  }
0xa8: {  	s5 =	sshll.u32 s28, $0x1;
	[dreg:$0x2] =	wrdreg s3  }
0xa9: {  	[dreg:$0x3] =	wrdreg s5  }
0xaa: {  	[dreg:$0x4] =	wrdreg $0xC0  }
0xab: {  	_ =	task [dreg:s7], $0x5FFFF  }
0xac: {  	[dreg:$0x1] =	wrdreg $0xFFFFFFFF  }
0xad: {  	[dreg:$0x0] =	wrdreg $0x60  }
0xae: {  	[dreg:$0x2] =	wrdreg s24  }
0xaf: {  	[dreg:$0x3] =	wrdreg s2  }
0xb0: {  	[dreg:$0x4] =	wrdreg $0x9  }
0xb1: {  	_ =	task.clear_ibuf [dreg:s7], $0x5FFFF;
	_ =	strace $0x90000046  }
0xb2: {  	s29 =	simm.s32 $0x9;
	_ =	strace $0x80000048  }
0xb3: {  	_ =	swait.ge [sflag:s29], $0x1  }
0xb4: {  	[sflag:s29] =	ssyncadd.s32 $0xFFFFFFFF  }
0xb5: {  	_ =	strace $0x90000048  }
0xb6: {  	_ =	sfence  }
0xb7: {  	s30 =	sld [smem:$0x0];
	_ =	sdelay $0x2  }
0xb8: {  	s31 =	sshll.u32 s1, $0xD;
	s1 =	sshrl.u32 s1, $0x2  }
0xb9: {  	s3 =	sand.u32 $0x4000, s31;
	s1 =	sadd.s32 s1, s30  }
0xba: {  	s0 =	sor.u32 s3, s0;
	s1 =	sshll.u32 s1, $0x11  }
0xbb: {  	s0 =	sor.u32 s1, s0  }
0xbc: {  	s0 =	sadd.s32 $0x8F2B, s0  }
0xbd: {  	[sflag:s0] =	ssyncadd.remote.s32 $0x1  }
0xbe: {  	_ =	sfence.sel $0xFFFF  }
0xbf: {  	[dreg:$0x0] =	wrdreg $0xFFFFFFFF;
	(pc) =	sbr.abs _section_cstart, $3  }
0xc0: {  	[dreg:$0x1] =	wrdreg $0xFFFFFFFF  }
0xc1: {  	_ =	task.clear_ibuf [dreg:s7], $0x2FFFF;
	_ =	strace $0x9FFFFFFF  }
0xc2: {  	(tm) =	ssettm $0x7FFFFFFF  }
0xc3: {  	_ =	shalt  }
tec
execute0_lowered:
.L_overlay_start_1:
0x0: {  	(tag) =	ssettag $0x1  }
0x1: {  	v0 =	vimm.s32 $0x76543210;
	v1 =	vimm.s32 $0xFEDCBA98;
	v2 =	vimm.s32 $0xBA98FEDC  }
0x2: {  	v3 =	vimm.s32 $0x32107654;
	v4 =	vimm.s32 $0xDCFE98BA;
	v5 =	vimm.s32 $0x54761032  }
0x3: {  	vm0 =	vcmask $0x2F20;
	vm1 =	vcmask $0xF00;
	vm2 =	vcmask $0x1710  }
0x4: {  	vm3 =	vcmask $0x700;
	vm4 =	vcmask $0x300;
	v1 =	vunpack.c.l.s4.s8 v1  }
0x5: {  	v0 =	vunpack.c.l.s4.s8 v0;
	v2 =	vunpack.c.l.s4.s8 v2;
	v3 =	vunpack.c.l.s4.s8 v3  }
0x6: {  	v4 =	vunpack.c.l.s4.s8 v4;
	vm0 =	vmor vm1, vm0;
	v1 =	vunpack.c.0.s8.s32 v1  }
0x7: {  	v0 =	vunpack.c.0.s8.s32 v0;
	v2 =	vunpack.c.0.s8.s32 v2;
	v3 =	vunpack.c.0.s8.s32 v3  }
0x8: {  	s0 =	rddreg [dreg:$0x0];
	s1 =	simm.s32 $0x0;
	s25 =	srdreg.scid;
	vm1 =	vmor vm3, vm2;
	vm3 =	vcmask $0xB08;
	v1 =	vand.u32 $0xF, v1  }
0x9: {  	s8 =	stileid.u32;
	s10 =	simm.s32 $0x2;
	s13 =	simm.s32 $0x64;
	v0 =	vcombine.low v1, v0;
	v1 =	vcombine.low v3, v2;
	v2 =	vunpack.c.l.s4.s8 v5  }
0xa: {  	s15 =	simm.s32 $0x78;
	s16 =	simm.s32 $0x2050;
	s17 =	simm.s32 $0xE0;
	vm2 =	vcmask $0x2720;
	vm3 =	vmor vm4, vm3  }
0xb: {  	s18 =	simm.s32 $0x3950;
	s19 =	simm.s32 $0x148;
	s20 =	simm.s32 $0x5250;
	vm4 =	vcmask $0x1310;
	v3 =	vunpack.c.0.s8.s32 v4;
	v2 =	vunpack.c.0.s8.s32 v2  }
0xc: {  	s21 =	simm.s32 $0x1B0;
	s22 =	simm.s32 $0x6B50;
	s23 =	simm.s32 $0x218;
	vm1 =	vmor vm1, vm2;
	vm2 =	vcmask $0x3730;
	vm3 =	vmor vm3, vm4  }
0xd: {  	s11 =	simm.s32 $0x10;
	s24 =	simm.s32 $0x8450;
	s28 =	simm.s32 $0x2E8;
	v4 =	vimm.s32 $0x67452301;
	v2 =	vcombine.low v2, v3;
	v3 =	vimm.s32 $0xEFCDAB89  }
0xe: {  	s29 =	simm.s32 $0xB650;
	s30 =	simm.s32 $0x1;
	s31 =	simm.s32 $0xCF50;
	vm4 =	vcmask $0x1B18;
	v4 =	vunpack.c.l.s4.s8 v4;
	v3 =	vunpack.c.l.s4.s8 v3  }
0xf: {  	[smem:$0x7FF] =	sst s1;
	s3 =	sadd.s32 $0x2000, s0;
	s1 =	sand.u32 $0x1, s25;
	vm1 =	vmor vm1, vm2;
	vm2 =	vmor vm3, vm4  }
0x10: {  	s4 =	sadd.s32 $0x24C000, s0;
	s5 =	sadd.s32 $0x188A00, s0;
	s2 =	ssub.s32 $0x2, s1;
	vm3 =	vcmask $0x2320;
	v4 =	vunpack.c.0.s8.s32 v4;
	v3 =	vunpack.c.0.s8.s32 v3  }
0x11: {  	s7 =	sadd.s32 $0x2A00, s0;
	s1 =	sshll.u32 s1, $0x4;
	s6 =	sshrl.u32 s2, $0x1;
	vm4 =	vcmask $0x2B28;
	vm3 =	vmor vm2, vm3;
	vm2 =	vmmov $0xff  }
0x12: {  	s25 =	simm.s32 $0x280;
	s1 =	sor.u32 s8, s1;
	s26 =	ssub.s32 s2, s6;
	vm3 =	vmor vm3, vm4;
	vm4 =	vcmask $0x3330;
	v3 =	vcombine.low v4, v3  }
0x13: {  	_ =	strace $0x80000047;
	s8 =	smul.u32 $0x280, s1;
	s0 =	smax.u32 s26, $0x1;
	vm3 =	vmor vm3, vm4;
	vm4 =	vcmask $0x3B38;
	v1 =	vand.u32 $0xF, v1  }
0x14: {  	s1 =	simm.s32 $0x0;
	s26 =	simm.s32 $0x9D50;
	[dreg:$0x3] =	wrdreg s0;
	vm3 =	vmor vm3, vm4;
	v2 =	vand.u32 $0xF, v2;
	v3 =	vand.u32 $0xF, v3  }
.LBB2_1:
0x15: {  	[dreg:$0x4] =	wrdreg s1;
	s6 =	simm.s32 $0x0  }
.LBB2_2:
0x16: {  	s0 =	sshll.u32 s6, $0x4  }
0x17: {  	s1 =	sadd.s32 s8, s0  }
0x18: {  	s0 =	sshrl.u32 s1, $0x3  }
0x19: {  	s2 =	sadd.s32 s3, s0;
	s0 =	simm.s32 $0x0  }
0x1a: {  	[tilespmem:s0], [sflag:$0x2] =	stream.linear.gather [hbm4b:s2+s0], $0x10, $0x38;
	[tilespmem:$0xD270] =	vst v63  }
0x1b: {  	_ =	swait.ge [sflag:s10], $0x10  }
0x1c: {  	s9 =	sshrl.u32 s1, $0x1;
	[sflag:s10] =	ssyncset.done $0x0  }
0x1d: {  	s2 =	smul.u32 $0xD, s9;
	[sflag:s10] =	ssyncadd.s32 $0xFFFFFFF0  }
0x1e: {  	s9 =	rddreg [dreg:$0x1]  }
0x1f: {  	s2 =	sadd.s32 s9, s2  }
0x20: {  	[tilespmem:s11], [sflag:$0x2] =	stream.linear.gather [hbm4b:s2+s0], $0x340, $0x38;
	[tilespmem:$0xD270] =	vst v63  }
0x21: {  	_ =	swait.ge [sflag:s10], $0x340  }
0x22: {  	[sflag:s10] =	ssyncset.done $0x0  }
0x23: {  	s12 =	simm.s32 $0x350;
	[sflag:s10] =	ssyncadd.s32 $0xFFFFFCC0  }
0x24: {  	[tilespmem:s12], [sflag:$0x1] =	stream.indirect.gather [hbm4b:s4+s11], $0x40, s0, s11, $0xb8;
	[tilespmem:$0xD270] =	vst v63  }
0x25: {  	s14 =	simm.s32 $0x750  }
0x26: {  	[tilespmem:s14], [sflag:$0x1] =	stream.indirect.gather [hbm4b:s5+s13], $0x40, s11, s13, $0xb8;
	[tilespmem:$0xD270] =	vst v63  }
0x27: {  	_ = 	snop  }
0x28: {  	[tilespmem:s16], [sflag:$0x1] =	stream.indirect.gather [hbm4b:s5+s13], $0x40, s15, s13, $0xb8;
	[tilespmem:$0xD270] =	vst v63  }
0x29: {  	_ = 	snop  }
0x2a: {  	[tilespmem:s18], [sflag:$0x1] =	stream.indirect.gather [hbm4b:s5+s13], $0x40, s17, s13, $0xb8;
	[tilespmem:$0xD270] =	vst v63  }
0x2b: {  	_ = 	snop  }
0x2c: {  	[tilespmem:s20], [sflag:$0x1] =	stream.indirect.gather [hbm4b:s5+s13], $0x40, s19, s13, $0xb8;
	[tilespmem:$0xD270] =	vst v63  }
0x2d: {  	_ = 	snop  }
0x2e: {  	[tilespmem:s22], [sflag:$0x1] =	stream.indirect.gather [hbm4b:s5+s13], $0x40, s21, s13, $0xb8;
	[tilespmem:$0xD270] =	vst v63  }
0x2f: {  	_ = 	snop  }
0x30: {  	[tilespmem:s24], [sflag:$0x1] =	stream.indirect.gather [hbm4b:s5+s13], $0x40, s23, s13, $0xb8;
	[tilespmem:$0xD270] =	vst v63  }
0x31: {  	_ = 	snop  }
0x32: {  	[tilespmem:s26], [sflag:$0x1] =	stream.indirect.gather [hbm4b:s5+s13], $0x40, s25, s13, $0xb8;
	[tilespmem:$0xD270] =	vst v63  }
0x33: {  	_ = 	snop  }
0x34: {  	[tilespmem:s29], [sflag:$0x1] =	stream.indirect.gather [hbm4b:s5+s13], $0x40, s28, s13, $0xb8;
	[tilespmem:$0xD270] =	vst v63  }
0x35: {  	_ =	swait.ge [sflag:s30], $0x400  }
0x36: {  	[sflag:s30] =	ssyncset.done $0x0  }
0x37: {  	[sflag:s30] =	ssyncadd.s32 $0xFFFFFC00  }
0x38: {  	_ =	swait.ge [sflag:s30], $0x1900  }
0x39: {  	[sflag:s30] =	ssyncset.done $0x0  }
0x3a: {  	[sflag:s30] =	ssyncadd.s32 $0xFFFFE700  }
0x3b: {  	_ =	swait.ge [sflag:s30], $0x1900  }
0x3c: {  	[sflag:s30] =	ssyncset.done $0x0  }
0x3d: {  	[sflag:s30] =	ssyncadd.s32 $0xFFFFE700  }
0x3e: {  	_ =	swait.ge [sflag:s30], $0x1900  }
0x3f: {  	[sflag:s30] =	ssyncset.done $0x0  }
0x40: {  	[sflag:s30] =	ssyncadd.s32 $0xFFFFE700  }
0x41: {  	_ =	swait.ge [sflag:s30], $0x1900  }
0x42: {  	[sflag:s30] =	ssyncset.done $0x0  }
0x43: {  	[sflag:s30] =	ssyncadd.s32 $0xFFFFE700  }
0x44: {  	_ =	swait.ge [sflag:s30], $0x1900  }
0x45: {  	[sflag:s30] =	ssyncset.done $0x0  }
0x46: {  	[sflag:s30] =	ssyncadd.s32 $0xFFFFE700  }
0x47: {  	_ =	swait.ge [sflag:s30], $0x1900  }
0x48: {  	[sflag:s30] =	ssyncset.done $0x0  }
0x49: {  	[sflag:s30] =	ssyncadd.s32 $0xFFFFE700  }
0x4a: {  	_ =	swait.ge [sflag:s30], $0x1900  }
0x4b: {  	[sflag:s30] =	ssyncset.done $0x0  }
0x4c: {  	[sflag:s30] =	ssyncadd.s32 $0xFFFFE700  }
0x4d: {  	s9 =	simm.s32 $0x0;
	_ =	swait.ge [sflag:s30], $0x1900  }
0x4e: {  	s2 =	smul.u32 $0x32, s9;
	s14 =	simm.s32 $0x0;
	[sflag:s30] =	ssyncset.done $0x0  }
0x4f: {  	s12 =	sand.u32 $0x30, s0;
	s14 =	sand.u32 $0x3FFFFFC0, s14;
	[sflag:s30] =	ssyncadd.s32 $0xFFFFE700  }
0x50: {  	s12 =	smin.u32 s12, $0x22;
	v5 =	vld [tilespmem:s14+$0x350]  }
0x51: {  	s9 =	sadd.s32 s2, s12;
	v6 =	vld [tilespmem:s14+$0x360]  }
0x52: {  	s2 =	sshll.u32 s9, $0x6;
	v8 =	vld [tilespmem:s14+$0x370]  }
0x53: {  	s2 =	sand.u32 $0x3FFFFF80, s2;
	v4 =	vld [tilespmem:s14+$0x380]  }
0x54: {  	v7 =	vld [tilespmem:s2+$0x750]  }
0x55: {  	v9 =	vld [tilespmem:s2+$0x760]  }
0x56: {  	v10 =	vld [tilespmem:s2+$0x770]  }
0x57: {  	v12 =	vld [tilespmem:s2+$0x780]  }
0x58: {  	v11 =	vld [tilespmem:s2+$0x950]  }
0x59: {  	v13 =	vld [tilespmem:s2+$0x960]  }
0x5a: {  	v14 =	vld [tilespmem:s2+$0x970]  }
0x5b: {  	v15 =	vld [tilespmem:s2+$0x980]  }
0x5c: {  	v16 =	vld [tilespmem:s2+$0x850]  }
0x5d: {  	v17 =	vld [tilespmem:s2+$0x860]  }
0x5e: {  	v18 =	vld [tilespmem:s2+$0x870]  }
0x5f: {  	v19 =	vld [tilespmem:s2+$0x880]  }
0x60: {  	v20 =	vld [tilespmem:s2+$0xA50]  }
0x61: {  	v21 =	vld [tilespmem:s2+$0xA60]  }
0x62: {  	v22 =	vld [tilespmem:s2+$0xA70]  }
0x63: {  	v23 =	vld [tilespmem:s2+$0xA80]  }
0x64: {  	v24 =	vld [tilespmem:s2+$0x7D0]  }
0x65: {  	v25 =	vld [tilespmem:s2+$0x7E0]  }
0x66: {  	v26 =	vld [tilespmem:s2+$0x7F0]  }
0x67: {  	v27 =	vld [tilespmem:s2+$0x800]  }
0x68: {  	v28 =	vld [tilespmem:s2+$0x9D0]  }
0x69: {  	v29 =	vld [tilespmem:s2+$0x9E0]  }
0x6a: {  	v30 =	vld [tilespmem:s2+$0x9F0]  }
0x6b: {  	v31 =	vld [tilespmem:s2+$0x8D0]  }
0x6c: {  	v32 =	vld [tilespmem:s2+$0x8E0]  }
0x6d: {  	v34 =	vld [tilespmem:s2+$0xAD0]  }
0x6e: {  	v35 =	vld [tilespmem:s2+$0xAE0]  }
0x6f: {  	v37 =	vld [tilespmem:s2+$0x790]  }
0x70: {  	v38 =	vld [tilespmem:s2+$0x990]  }
0x71: {  	v39 =	vld [tilespmem:s2+$0x890]  }
0x72: {  	v40 =	vld [tilespmem:s2+$0xA90]  }
0x73: {  	v41 =	vld [tilespmem:s2+$0x810];
	v7 =	vmul.f32 v7, v5;
	v11 =	vmul.f32 v11, v5  }
0x74: {  	v42 =	vld [tilespmem:s2+$0xA10];
	v16 =	vmul.f32 v16, v5;
	v20 =	vmul.f32 v20, v5  }
0x75: {  	v43 =	vld [tilespmem:s2+$0x910];
	v24 =	vmul.f32 v24, v5;
	v28 =	vmul.f32 v28, v5  }
0x76: {  	v44 =	vld [tilespmem:s2+$0xB10];
	v31 =	vmul.f32 v31, v5;
	v34 =	vmul.f32 v34, v5  }
0x77: {  	v45 =	vld [tilespmem:s2+$0x7A0];
	v37 =	vmul.f32 v37, v5;
	v38 =	vmul.f32 v38, v5  }
0x78: {  	v46 =	vld [tilespmem:s2+$0x9A0];
	v39 =	vmul.f32 v39, v5;
	v40 =	vmul.f32 v40, v5  }
0x79: {  	v47 =	vld [tilespmem:s2+$0x8A0];
	v41 =	vmul.f32 v41, v5;
	v42 =	vmul.f32 v42, v5  }
0x7a: {  	v48 =	vld [tilespmem:s2+$0xAA0];
	v43 =	vmul.f32 v43, v5;
	v9 =	vmul.f32 v9, v6  }
0x7b: {  	v49 =	vld [tilespmem:s2+$0x820];
	v44 =	vmul.f32 v44, v5;
	v5 =	vmul.f32 v13, v6  }
0x7c: {  	v50 =	vld [tilespmem:s2+$0x920];
	v13 =	vmul.f32 v17, v6;
	v21 =	vmul.f32 v21, v6  }
0x7d: {  	v33 =	vld [tilespmem:s2+$0x8F0];
	v25 =	vmul.f32 v25, v6;
	v29 =	vmul.f32 v29, v6  }
0x7e: {  	v36 =	vld [tilespmem:s2+$0xAF0];
	v32 =	vmul.f32 v32, v6;
	v35 =	vmul.f32 v35, v6  }
0x7f: {  	v51 =	vld [tilespmem:s2+$0xB20];
	v45 =	vmul.f32 v45, v6;
	v46 =	vmul.f32 v46, v6  }
0x80: {  	v52 =	vld [tilespmem:s2+$0x7B0];
	v47 =	vmul.f32 v47, v6;
	v48 =	vmul.f32 v48, v6  }
0x81: {  	v53 =	vld [tilespmem:s2+$0x9B0];
	v49 =	vmul.f32 v49, v6;
	v50 =	vmul.f32 v50, v6  }
0x82: {  	v54 =	vld [tilespmem:s2+$0x8B0];
	v59 =	vmul.f32 v14, v8;
	v18 =	vmul.f32 v18, v8  }
0x83: {  	v56 =	vld [tilespmem:s2+$0xAB0];
	v15 =	vmul.f32 v15, v4;
	v19 =	vmul.f32 v19, v4  }
0x84: {  	v63 =	vld [tilespmem:s2+$0x8C0];
	v23 =	vmul.f32 v23, v4;
	v27 =	vmul.f32 v27, v4;
	v55 =	vadd.f32 v9, v7  }
0x85: {  	v17 =	vld [tilespmem:s2+$0xA20];
	v57 =	vadd.f32 v5, v11;
	v58 =	vadd.f32 v13, v16;
	v16 =	vmul.f32 v51, v6  }
0x86: {  	v5 =	vld [tilespmem:s2+$0x830];
	v51 =	vmul.f32 v10, v8;
	v60 =	vadd.f32 v21, v20;
	v20 =	vmul.f32 v22, v8  }
0x87: {  	v61 =	vadd.f32 v25, v24;
	v10 =	vld [tilespmem:s2+$0x930];
	v21 =	vmul.f32 v26, v8;
	v62 =	vadd.f32 v29, v28  }
0x88: {  	v22 =	vmul.f32 v30, v8;
	v24 =	vld [tilespmem:s2+$0xB30];
	v7 =	vadd.f32 v32, v31;
	v26 =	vmul.f32 v33, v8  }
0x89: {  	v25 =	vld [tilespmem:s2+$0xA00];
	v28 =	vmul.f32 v36, v8;
	v9 =	vadd.f32 v35, v34;
	v30 =	vmul.f32 v52, v8  }
0x8a: {  	v31 =	vmul.f32 v53, v8;
	v11 =	vadd.f32 v45, v37;
	v33 =	vmul.f32 v54, v8;
	v54 =	vld [tilespmem:s2+$0x7C0]  }
0x8b: {  	v34 =	vmul.f32 v56, v8;
	v13 =	vadd.f32 v46, v38;
	v56 =	vld [tilespmem:s2+$0x9C0];
	v14 =	vadd.f32 v47, v39  }
0x8c: {  	v29 =	vld [tilespmem:s2+$0x900];
	v15 =	vadd.f32 v15, v59;
	v18 =	vadd.f32 v19, v18;
	v17 =	vmul.f32 v17, v6  }
0x8d: {  	v59 =	vadd.f32 v27, v21;
	v6 =	vld [tilespmem:s2+$0xA30];
	v36 =	vmul.f32 v5, v8;
	v39 =	vmul.f32 v10, v8  }
0x8e: {  	v53 =	vld [tilespmem:s2+$0xB00];
	v18 =	vadd.f32 v18, v58;
	v45 =	vmul.f32 v24, v8;
	v24 =	vmul.f32 v12, v4  }
0x8f: {  	v5 =	vadd.f32 v48, v40;
	v48 =	vld [tilespmem:s2+$0xAC0];
	v25 =	vmul.f32 v25, v4;
	v10 =	vadd.f32 v50, v43  }
0x90: {  	v52 =	vld [tilespmem:s2+$0xA40];
	v35 =	vmul.f32 v54, v4;
	v38 =	vmul.f32 v56, v4;
	v12 =	vadd.f32 v16, v44  }
0x91: {  	v56 =	vadd.f32 v23, v20;
	v16 =	vadd.f32 v24, v51;
	v24 =	vmul.f32 v63, v4  }
0x92: {  	v63 =	vadd.f32 v25, v22;
	v37 =	vmul.f32 v6, v8;
	v6 =	vadd.f32 v49, v41;
	v49 =	vld [tilespmem:s2+$0x840]  }
0x93: {  	v8 =	vadd.f32 v17, v42;
	v17 =	vmul.f32 v29, v4;
	v29 =	vmul.f32 v53, v4;
	v53 =	vld [tilespmem:s2+$0x940]  }
0x94: {  	v54 =	vld [tilespmem:s2+$0xB40];
	v25 =	vadd.f32 v35, v30;
	v27 =	vadd.f32 v24, v33;
	v19 =	vmul.f32 v48, v4  }
0x95: {  	v22 =	vadd.f32 v17, v26;
	v23 =	vadd.f32 v29, v28;
	v17 =	vmul.f32 v52, v4  }
0x96: {  	v26 =	vadd.f32 v38, v31;
	v28 =	vadd.f32 v19, v34  }
0x97: {  	v24 =	vadd.f32 v17, v37;
	v19 =	vadd.f32 v16, v55  }
0x98: {  	v16 =	vadd.f32 v15, v57;
	v20 =	vmul.f32 v49, v4;
	v21 =	vmul.f32 v53, v4  }
0x99: {  	v15 =	vadd.f32 v56, v60;
	v17 =	vadd.f32 v59, v61;
	v4 =	vmul.f32 v54, v4  }
0x9a: {  	v29 =	vadd.f32 v20, v36;
	v21 =	vadd.f32 v21, v39  }
0x9b: {  	s1 =	smul.u32 $0x32, s1;
	s2 =	simm.s32 $0x1;
	v20 =	vadd.f32 v4, v45;
	v4 =	vadd.f32 v63, v62  }
.LBB2_3:
0x9c: {  	p0 =	sne.s32 s2, $0x3F;
	v7 =	vadd.f32 v22, v7;
	v9 =	vadd.f32 v23, v9  }
0x9d: {  	v11 =	vadd.f32 v25, v11;
	v13 =	vadd.f32 v26, v13  }
0x9e: {  	v14 =	vadd.f32 v27, v14;
	v5 =	vadd.f32 v28, v5  }
0x9f: {  	v6 =	vadd.f32 v29, v6;
	v22 =	vperm.xlane v19, v0;
	v23 =	vperm.xlane v16, v0  }
0xa0: {  	v8 =	vadd.f32 v24, v8;
	v24 =	vperm.xlane v18, v0;
	v25 =	vperm.xlane v15, v0  }
0xa1: {  	v10 =	vadd.f32 v21, v10;
	v21 =	vperm.xlane v17, v0;
	v26 =	vperm.xlane v4, v0  }
0xa2: {  	v12 =	vadd.f32 v20, v12;
	v20 =	vperm.xlane v7, v0;
	v27 =	vperm.xlane v9, v0  }
0xa3: {  	v19 =	vadd.f32 v22, v19;
	v22 =	vperm.xlane v11, v0;
	v28 =	vperm.xlane v13, v0  }
0xa4: {  	v16 =	vadd.f32 v23, v16;
	v18 =	vadd.f32 v24, v18;
	v23 =	vperm.xlane v14, v0  }
0xa5: {  	v15 =	vadd.f32 v25, v15;
	v17 =	vadd.f32 v21, v17;
	v21 =	vperm.xlane v5, v0  }
0xa6: {  	v4 =	vadd.f32 v26, v4;
	v7 =	vadd.f32 v20, v7;
	v20 =	vperm.xlane v6, v0  }
0xa7: {  	v9 =	vadd.f32 v27, v9;
	v11 =	vadd.f32 v22, v11;
	v22 =	vperm.xlane v8, v0  }
0xa8: {  	v13 =	vadd.f32 v28, v13;
	v14 =	vadd.f32 v23, v14;
	v23 =	vperm.xlane v10, v0  }
0xa9: {  	v5 =	vadd.f32 v21, v5;
	v6 =	vadd.f32 v20, v6;
	v20 =	vperm.xlane v12, v0  }
0xaa: {  	v8 =	vadd.f32 v22, v8;
	v10 =	vadd.f32 v23, v10  }
0xab: {  	v16 =	vsel vm2, v19, v16;
	v15 =	vsel vm2, v18, v15;
	v12 =	vadd.f32 v20, v12  }
0xac: {  	v4 =	vsel vm2, v17, v4;
	v7 =	vsel vm2, v7, v9;
	v9 =	vsel vm2, v11, v13  }
0xad: {  	v11 =	vperm.xlane v16, v1;
	v13 =	vperm.xlane v15, v1;
	v5 =	vsel vm2, v14, v5  }
0xae: {  	v14 =	vperm.xlane v7, v1;
	v6 =	vsel vm2, v6, v8;
	v8 =	vperm.xlane v4, v1  }
0xaf: {  	v17 =	vperm.xlane v5, v1;
	v10 =	vsel vm2, v10, v12;
	v12 =	vperm.xlane v9, v1  }
0xb0: {  	v11 =	vadd.f32 v11, v16;
	v13 =	vadd.f32 v13, v15;
	v15 =	vperm.xlane v6, v1  }
0xb1: {  	v7 =	vadd.f32 v14, v7;
	v4 =	vadd.f32 v8, v4;
	v8 =	vperm.xlane v10, v1  }
0xb2: {  	v5 =	vadd.f32 v17, v5;
	v9 =	vadd.f32 v12, v9  }
0xb3: {  	v6 =	vadd.f32 v15, v6;
	v8 =	vadd.f32 v8, v10  }
0xb4: {  	v4 =	vsel vm0, v4, v7;
	v10 =	vsel vm0, v11, v13;
	v5 =	vsel vm0, v9, v5  }
0xb5: {  	v7 =	vperm.xlane v10, v2;
	v6 =	vsel vm0, v6, v8;
	v8 =	vperm.xlane v4, v2  }
0xb6: {  	v9 =	vperm.xlane v5, v2;
	v11 =	vperm.xlane v6, v2  }
0xb7: {  	v7 =	vadd.f32 v7, v10;
	v4 =	vadd.f32 v8, v4  }
0xb8: {  	v5 =	vadd.f32 v9, v5;
	v6 =	vadd.f32 v11, v6;
	_ =	sdelay $0x1  }
0xb9: {  	v4 =	vsel vm1, v7, v4;
	v5 =	vsel vm1, v5, v6  }
0xba: {  	s12 =	sshrl.u32 s2, $0x2;
	s0 =	sadd.s32 $0x10, s0;
	v6 =	vperm.xlane v4, v3;
	v7 =	vperm.xlane v5, v3  }
0xbb: {  	s14 =	sand.u32 $0x30, s0;
	s12 =	smul.u32 $0x32, s12  }
0xbc: {  	s14 =	smin.u32 s14, $0x22;
	v4 =	vadd.f32 v6, v4;
	v5 =	vadd.f32 v7, v5  }
0xbd: {  	s14 =	sadd.s32 s12, s14  }
0xbe: {  	s12 =	sshll.u32 s14, $0x6;
	v4 =	vsel vm3, v4, v5  }
0xbf: {  	s12 =	sand.u32 $0x3FFFFF80, s12;
	[tilespmem:s9+$0xCF50] =	vst v4;
	s9 =	smov.u32 s14  }
0xc0: {  	v13 =	vld [tilespmem:s12+$0x750]  }
0xc1: {  	v14 =	vld [tilespmem:s12+$0x760]  }
0xc2: {  	v7 =	vld [tilespmem:s12+$0x770]  }
0xc3: {  	v4 =	vld [tilespmem:s12+$0x780]  }
0xc4: {  	v15 =	vld [tilespmem:s12+$0x950]  }
0xc5: {  	v16 =	vld [tilespmem:s12+$0x960]  }
0xc6: {  	v9 =	vld [tilespmem:s12+$0x970]  }
0xc7: {  	v5 =	vld [tilespmem:s12+$0x980]  }
0xc8: {  	v17 =	vld [tilespmem:s12+$0x850]  }
0xc9: {  	v18 =	vld [tilespmem:s12+$0x860]  }
0xca: {  	v11 =	vld [tilespmem:s12+$0x870]  }
0xcb: {  	v6 =	vld [tilespmem:s12+$0x880]  }
0xcc: {  	v19 =	vld [tilespmem:s12+$0xA50]  }
0xcd: {  	v20 =	vld [tilespmem:s12+$0xA60]  }
0xce: {  	v21 =	vld [tilespmem:s12+$0xA70]  }
0xcf: {  	v8 =	vld [tilespmem:s12+$0xA80]  }
0xd0: {  	v22 =	vld [tilespmem:s12+$0x7D0]  }
0xd1: {  	v23 =	vld [tilespmem:s12+$0x7E0]  }
0xd2: {  	v24 =	vld [tilespmem:s12+$0x7F0]  }
0xd3: {  	v10 =	vld [tilespmem:s12+$0x800]  }
0xd4: {  	v25 =	vld [tilespmem:s12+$0x9D0]  }
0xd5: {  	v26 =	vld [tilespmem:s12+$0x9E0]  }
0xd6: {  	v27 =	vld [tilespmem:s12+$0x9F0]  }
0xd7: {  	v12 =	vld [tilespmem:s12+$0xA00]  }
0xd8: {  	v28 =	vld [tilespmem:s12+$0x8D0]  }
0xd9: {  	v29 =	vld [tilespmem:s12+$0x8E0]  }
0xda: {  	v30 =	vld [tilespmem:s12+$0x8F0]  }
0xdb: {  	v31 =	vld [tilespmem:s12+$0xAD0]  }
0xdc: {  	v32 =	vld [tilespmem:s12+$0xAE0]  }
0xdd: {  	v33 =	vld [tilespmem:s12+$0xAF0]  }
0xde: {  	s14 =	sshll.u32 s2, $0x4;
	v34 =	vld [tilespmem:s12+$0x790]  }
0xdf: {  	s14 =	sand.u32 $0x3FFFFFC0, s14;
	v35 =	vld [tilespmem:s12+$0x7A0]  }
0xe0: {  	v36 =	vld [tilespmem:s14+$0x350]  }
0xe1: {  	v37 =	vld [tilespmem:s12+$0x990]  }
0xe2: {  	v38 =	vld [tilespmem:s12+$0x890]  }
0xe3: {  	v39 =	vld [tilespmem:s12+$0xA90]  }
0xe4: {  	v40 =	vld [tilespmem:s12+$0x810]  }
0xe5: {  	v13 =	vmul.f32 v13, v36;
	v41 =	vld [tilespmem:s12+$0xA10]  }
0xe6: {  	v15 =	vmul.f32 v15, v36;
	v17 =	vmul.f32 v17, v36;
	v42 =	vld [tilespmem:s12+$0x910]  }
0xe7: {  	v19 =	vmul.f32 v19, v36;
	v22 =	vmul.f32 v22, v36;
	v43 =	vld [tilespmem:s12+$0xB10]  }
0xe8: {  	v25 =	vmul.f32 v25, v36;
	v28 =	vmul.f32 v28, v36;
	v44 =	vld [tilespmem:s14+$0x360]  }
0xe9: {  	v31 =	vmul.f32 v31, v36;
	v34 =	vmul.f32 v34, v36;
	v45 =	vld [tilespmem:s12+$0x7B0]  }
0xea: {  	v37 =	vmul.f32 v37, v36;
	v38 =	vmul.f32 v38, v36;
	v46 =	vld [tilespmem:s12+$0x9A0]  }
0xeb: {  	v39 =	vmul.f32 v39, v36;
	v40 =	vmul.f32 v40, v36;
	v47 =	vld [tilespmem:s12+$0x8A0]  }
0xec: {  	v41 =	vmul.f32 v41, v36;
	v42 =	vmul.f32 v42, v36;
	v48 =	vld [tilespmem:s12+$0xAA0]  }
0xed: {  	v36 =	vmul.f32 v43, v36;
	v14 =	vmul.f32 v14, v44;
	v49 =	vld [tilespmem:s12+$0x820]  }
0xee: {  	v16 =	vmul.f32 v16, v44;
	v18 =	vmul.f32 v18, v44;
	v43 =	vld [tilespmem:s12+$0xA20]  }
0xef: {  	v20 =	vmul.f32 v20, v44;
	v23 =	vmul.f32 v23, v44;
	v50 =	vld [tilespmem:s12+$0x920]  }
0xf0: {  	v26 =	vmul.f32 v26, v44;
	v29 =	vmul.f32 v29, v44;
	v51 =	vld [tilespmem:s12+$0xB20]  }
0xf1: {  	v32 =	vmul.f32 v32, v44;
	v35 =	vmul.f32 v35, v44;
	v52 =	vld [tilespmem:s14+$0x370]  }
0xf2: {  	v46 =	vmul.f32 v46, v44;
	v47 =	vmul.f32 v47, v44;
	v53 =	vld [tilespmem:s12+$0x9B0]  }
0xf3: {  	v48 =	vmul.f32 v48, v44;
	v49 =	vmul.f32 v49, v44;
	v54 =	vld [tilespmem:s12+$0x8B0]  }
0xf4: {  	v55 =	vadd.f32 v14, v13;
	v43 =	vmul.f32 v43, v44;
	v13 =	vld [tilespmem:s12+$0xAB0];
	v50 =	vmul.f32 v50, v44  }
0xf5: {  	v15 =	vadd.f32 v16, v15;
	v17 =	vadd.f32 v18, v17;
	v14 =	vld [tilespmem:s12+$0x830];
	v16 =	vmul.f32 v51, v44  }
0xf6: {  	v51 =	vadd.f32 v20, v19;
	v18 =	vmul.f32 v7, v52;
	v44 =	vmul.f32 v9, v52;
	v19 =	vld [tilespmem:s12+$0xA30]  }
0xf7: {  	v56 =	vadd.f32 v23, v22;
	v20 =	vmul.f32 v11, v52;
	v21 =	vmul.f32 v21, v52;
	v22 =	vld [tilespmem:s12+$0x930]  }
0xf8: {  	v57 =	vadd.f32 v26, v25;
	v23 =	vmul.f32 v24, v52;
	v24 =	vmul.f32 v27, v52;
	v25 =	vld [tilespmem:s12+$0xB30]  }
0xf9: {  	v7 =	vadd.f32 v29, v28;
	v26 =	vmul.f32 v30, v52;
	v27 =	vmul.f32 v33, v52;
	v58 =	vld [tilespmem:s14+$0x380]  }
0xfa: {  	v9 =	vadd.f32 v32, v31;
	v29 =	vmul.f32 v45, v52;
	v30 =	vmul.f32 v53, v52;
	v28 =	vld [tilespmem:s12+$0x900]  }
0xfb: {  	v11 =	vadd.f32 v35, v34;
	v32 =	vmul.f32 v54, v52;
	v33 =	vmul.f32 v13, v52;
	v31 =	vld [tilespmem:s12+$0xB00]  }
0xfc: {  	v13 =	vadd.f32 v46, v37;
	v35 =	vmul.f32 v14, v52;
	v19 =	vmul.f32 v19, v52;
	v34 =	vld [tilespmem:s12+$0x7C0]  }
0xfd: {  	v14 =	vadd.f32 v47, v38;
	v38 =	vmul.f32 v22, v52;
	v37 =	vld [tilespmem:s12+$0x9C0];
	v45 =	vmul.f32 v25, v52  }
0xfe: {  	v4 =	vmul.f32 v4, v58;
	v22 =	vmul.f32 v5, v58;
	v25 =	vld [tilespmem:s12+$0x8C0];
	v5 =	vadd.f32 v48, v39  }
0xff: {  	v39 =	vmul.f32 v6, v58;
	v46 =	vmul.f32 v8, v58;
	v6 =	vadd.f32 v49, v40;
	v47 =	vld [tilespmem:s12+$0xAC0]  }
0x100: {  	v40 =	vmul.f32 v10, v58;
	v48 =	vmul.f32 v12, v58;
	v8 =	vadd.f32 v43, v41;
	v49 =	vld [tilespmem:s12+$0x840]  }
0x101: {  	v10 =	vadd.f32 v50, v42;
	v28 =	vmul.f32 v28, v58;
	v31 =	vmul.f32 v31, v58;
	v41 =	vld [tilespmem:s12+$0xA40]  }
0x102: {  	v12 =	vadd.f32 v16, v36;
	v34 =	vmul.f32 v34, v58;
	v37 =	vmul.f32 v37, v58;
	v42 =	vld [tilespmem:s12+$0x940]  }
0x103: {  	v4 =	vadd.f32 v4, v18;
	v16 =	vadd.f32 v22, v44;
	v18 =	vmul.f32 v25, v58;
	v36 =	vld [tilespmem:s12+$0xB40]  }
0x104: {  	v39 =	vadd.f32 v39, v20;
	v43 =	vadd.f32 v46, v21;
	v20 =	vmul.f32 v47, v58  }
0x105: {  	v40 =	vadd.f32 v40, v23;
	v44 =	vadd.f32 v48, v24;
	v21 =	vmul.f32 v49, v58  }
0x106: {  	v22 =	vadd.f32 v28, v26;
	v23 =	vadd.f32 v31, v27;
	v24 =	vmul.f32 v41, v58  }
0x107: {  	v25 =	vadd.f32 v34, v29;
	v26 =	vadd.f32 v37, v30;
	v30 =	vmul.f32 v42, v58  }
0x108: {  	v27 =	vadd.f32 v18, v32;
	v28 =	vadd.f32 v20, v33;
	v18 =	vmul.f32 v36, v58  }
.Ltmp0:
0x109: {  	v29 =	vadd.f32 v21, v35;
	v24 =	vadd.f32 v24, v19;
	(pc) =	sbr.rel @p0 .LBB2_3-.Ltmp0, $4  }
0x10a: {  	v21 =	vadd.f32 v30, v38;
	v20 =	vadd.f32 v18, v45  }
0x10b: {  	v16 =	vadd.f32 v16, v15;
	v19 =	vadd.f32 v4, v55  }
0x10c: {  	v15 =	vadd.f32 v43, v51;
	v18 =	vadd.f32 v39, v17  }
0x10d: {  	s2 =	sadd.s32 $0x1, s2;
	v4 =	vadd.f32 v44, v57;
	v17 =	vadd.f32 v40, v56  }
0x10e: {  	v7 =	vadd.f32 v22, v7;
	v9 =	vadd.f32 v23, v9  }
0x10f: {  	v11 =	vadd.f32 v25, v11;
	v13 =	vadd.f32 v26, v13  }
0x110: {  	v14 =	vadd.f32 v27, v14;
	v5 =	vadd.f32 v28, v5  }
0x111: {  	v6 =	vadd.f32 v29, v6;
	v33 =	vperm.xlane v19, v0;
	v34 =	vperm.xlane v16, v0  }
0x112: {  	v8 =	vadd.f32 v24, v8;
	v35 =	vperm.xlane v18, v0;
	v36 =	vperm.xlane v15, v0  }
0x113: {  	v10 =	vadd.f32 v21, v10;
	v37 =	vperm.xlane v17, v0;
	v38 =	vperm.xlane v4, v0  }
0x114: {  	v12 =	vadd.f32 v20, v12;
	v39 =	vperm.xlane v7, v0;
	v40 =	vperm.xlane v9, v0  }
0x115: {  	v19 =	vadd.f32 v33, v19;
	v41 =	vperm.xlane v11, v0;
	v42 =	vperm.xlane v13, v0  }
0x116: {  	v16 =	vadd.f32 v34, v16;
	v18 =	vadd.f32 v35, v18;
	v43 =	vperm.xlane v14, v0  }
0x117: {  	v15 =	vadd.f32 v36, v15;
	v44 =	vperm.xlane v5, v0;
	v17 =	vadd.f32 v37, v17  }
0x118: {  	v45 =	vperm.xlane v6, v0;
	v4 =	vadd.f32 v38, v4;
	v7 =	vadd.f32 v39, v7  }
0x119: {  	v46 =	vperm.xlane v8, v0;
	v9 =	vadd.f32 v40, v9;
	v11 =	vadd.f32 v41, v11  }
0x11a: {  	v47 =	vperm.xlane v10, v0;
	v13 =	vadd.f32 v42, v13;
	v14 =	vadd.f32 v43, v14  }
0x11b: {  	v48 =	vperm.xlane v12, v0;
	v5 =	vadd.f32 v44, v5;
	v6 =	vadd.f32 v45, v6  }
0x11c: {  	v8 =	vadd.f32 v46, v8;
	v10 =	vadd.f32 v47, v10  }
0x11d: {  	v16 =	vsel vm2, v19, v16;
	v15 =	vsel vm2, v18, v15;
	v12 =	vadd.f32 v48, v12  }
0x11e: {  	v4 =	vsel vm2, v17, v4;
	v50 =	vperm.xlane v16, v1;
	v51 =	vperm.xlane v15, v1  }
0x11f: {  	v7 =	vsel vm2, v7, v9;
	v49 =	vsel vm2, v11, v13;
	v5 =	vsel vm2, v14, v5  }
0x120: {  	v6 =	vsel vm2, v6, v8;
	v52 =	vperm.xlane v4, v1;
	v53 =	vperm.xlane v7, v1  }
0x121: {  	v10 =	vsel vm2, v10, v12;
	v54 =	vperm.xlane v49, v1;
	v55 =	vperm.xlane v5, v1  }
0x122: {  	v11 =	vadd.f32 v50, v16;
	v13 =	vadd.f32 v51, v15;
	v56 =	vperm.xlane v6, v1  }
0x123: {  	v57 =	vperm.xlane v10, v1;
	v4 =	vadd.f32 v52, v4;
	v7 =	vadd.f32 v53, v7  }
0x124: {  	v9 =	vadd.f32 v54, v49;
	v5 =	vadd.f32 v55, v5  }
0x125: {  	v6 =	vadd.f32 v56, v6;
	v8 =	vadd.f32 v57, v10;
	v58 =	vsel vm0, v11, v13  }
0x126: {  	v59 =	vperm.xlane v58, v2;
	v4 =	vsel vm0, v4, v7  }
0x127: {  	v5 =	vsel vm0, v9, v5;
	v6 =	vsel vm0, v6, v8;
	v60 =	vperm.xlane v4, v2  }
0x128: {  	v9 =	vperm.xlane v5, v2;
	v61 =	vperm.xlane v6, v2  }
0x129: {  	v7 =	vadd.f32 v59, v58;
	v4 =	vadd.f32 v60, v4  }
0x12a: {  	v5 =	vadd.f32 v9, v5;
	v6 =	vadd.f32 v61, v6;
	_ =	sdelay $0x1  }
0x12b: {  	v4 =	vsel vm1, v7, v4;
	v5 =	vsel vm1, v5, v6  }
0x12c: {  	v62 =	vperm.xlane v4, v3;
	v63 =	vperm.xlane v5, v3;
	_ =	sdelay $0x1  }
0x12d: {  	v4 =	vadd.f32 v62, v4;
	v5 =	vadd.f32 v63, v5  }
0x12e: {  	s6 =	sadd.s32 $0x1, s6  }
0x12f: {  	s0 =	sshrl.u32 s1, $0x3;
	p0 =	sne.s32 s6, $0x28;
	v4 =	vsel vm3, v4, v5  }
.Ltmp1:
0x130: {  	s14 =	simm.s32 $0x0;
	s0 =	sadd.s32 s7, s0;
	[tilespmem:s9+$0xCF50] =	vst v4;
	(pc) =	sbr.rel @p0 .LBB2_2-.Ltmp1, $4  }
0x131: {  	[hbm4b:s0+s14] =	stream.linear.scatter [tilespmem:s31], [sflag:$0x2], $0x320, $0x38;
	[tilespmem:$0xD270] =	vst v63  }
0x132: {  	_ =	swait.ge [sflag:s10], $0x320  }
0x133: {  	[sflag:s10] =	ssyncset.done $0x0  }
0x134: {  	[sflag:s10] =	ssyncadd.s32 $0xFFFFFCE0  }
0x135: {  	s1 =	rddreg [dreg:$0x4]  }
0x136: {  	s0 =	rddreg [dreg:$0x3];
	s1 =	sadd.s32 $0x1, s1  }
0x137: {  	p0 =	sne.s32 s1, s0  }
.Ltmp2:
0x138: {  	_ = 	snop;
	(pc) =	sbr.rel @p0 .LBB2_1-.Ltmp2, $1  }
0x139: {  	_ =	sdelay $0x3  }
0x13a: {  	_ =	sfence.sel $0x180000  }
0x13b: {  	[bflag:$0x0] =	sbarrier.arrive $0xFFFF  }
0x13c: {  	_ =	strace $0x90000047  }
0x13d: {  	s0 =	stileid.u32;
	[bflag:$0x2] =	sbarrier.arrive $0xFFFF  }
0x13e: {  	p0 =	sne.s32 s0, $0x0;
	s0 =	rddreg [dreg:$0x2]  }
0x13f: {  	s0 =	sadd.s32 @!p0 $0x100000, s0  }
0x140: {  	[sflag:s0] =	ssyncadd.tile.s32 @!p0 $0x1;
	_ =	shalt  }
.Lfunc_end2:
_tile_overlayer_lowered:
.L_overlay_start_2:
0x141: {  	(tag) =	ssettag $0x2  }
0x142: {  	s0 =	rddreg [dreg:$0x0];
	s2 =	stileid.u32  }
0x143: {  	s1 =	rddreg [dreg:$0x1];
	p0 =	sne.s32 s2, $0x0  }
0x144: {  	s3 =	rddreg [dreg:$0x2];
	[bflag:$0x3] =	sbarrier.arrive $0xFFFF;
	s2 =	simm.s32 @!p0 $0x1C02  }
0x145: {  	[timem:s3], [sflag:s2] =	dma.local @!p0 [hbm:s0], s1  }
0x146: {  	s0 =	simm.s32 @!p0 $0x2  }
0x147: {  	_ =	swait.ge @!p0 [sflag:s0], s1  }
0x148: {  	s1 =	ssub.s32 @!p0 $0x0, s1;
	[sflag:s0] =	ssyncset.done @!p0 $0x0  }
0x149: {  	[sflag:s0] =	ssyncadd.s32 @!p0 s1  }
0x14a: {  	[bflag:$0x3] =	sbarrier.arrive $0xFFFF  }
0x14b: {  	_ =	shalt  }

</sc_bundles>
